<compile_context>
chip_gen: v7x
topology: tpu7x:2x2x1
jax: 0.10.2.dev20260603
libtpu: 0.0.44.dev20260713+nightly
codegen_flags: <defaults>
</compile_context>

<pallas_src>
import functools

import jax
import jax.numpy as jnp
from jax import lax
from jax.experimental import pallas as pl
from jax.experimental.pallas import tpu as pltpu
from jax.experimental.pallas import tpu_sc as plsc

N_NODES = 10000
IN_CH = 128
HID = 16
NUM_CLASSES = 40

NC = 2
NS = 16
NW = NC * NS
CHUNK = 100
NCHUNK = 100
ACC_ROWS = 10240
RPT = ACC_ROWS // NS


def _scatter_add_call(feat, src3, dst3, zeros, F):
    mesh = plsc.VectorSubcoreMesh(core_axis_name="c", subcore_axis_name="s")

    @functools.partial(
        pl.kernel,
        out_type=(
            jax.ShapeDtypeStruct((ACC_ROWS, F), jnp.float32),
            jax.ShapeDtypeStruct((ACC_ROWS, F), jnp.float32),
        ),
        mesh=mesh,
        scratch_types=[
            pltpu.VMEM((NCHUNK, CHUNK), jnp.int32),
            pltpu.VMEM((NCHUNK, CHUNK), jnp.int32),
            pltpu.VMEM((8, CHUNK, F), jnp.float32),
            pltpu.VMEM_SHARED((ACC_ROWS, F), jnp.float32),
            pltpu.VMEM_SHARED((N_NODES, F), jnp.float32),
            pltpu.SemaphoreType.DMA,
            pltpu.SemaphoreType.DMA,
            pltpu.SemaphoreType.DMA,
        ],
        compiler_params=pltpu.CompilerParams(use_tc_tiling_on_sc=False),
    )
    def k(feat_hbm, src_hbm, dst_hbm, zero_hbm, out0, out1,
          srcv, dstv, rows, acc, tbl, sem, sem2, sems):
        cid = lax.axis_index("c")
        sid = lax.axis_index("s")
        wid = sid * NC + cid
        tpt = N_NODES // NS
        z = pltpu.async_copy(zero_hbm, acc.at[pl.ds(sid * RPT, RPT)], sem2)
        t = pltpu.async_copy(feat_hbm.at[pl.ds(sid * tpt, tpt)],
                             tbl.at[pl.ds(sid * tpt, tpt)], sem2)
        s = pltpu.async_copy(src_hbm.at[wid], srcv, sem2)
        d = pltpu.async_copy(dst_hbm.at[wid], dstv, sem2)
        z.wait(); t.wait(); s.wait(); d.wait()
        plsc.subcore_barrier()

        for j0 in range(4):
            pltpu.async_copy(tbl.at[srcv.at[j0]], rows.at[j0], sem)

        def body(j, carry):
            @pl.when(j >= 4)
            def _():
                pltpu.make_async_copy(rows.at[lax.rem(j, 8)],
                                      acc.at[dstv.at[j - 4]], sems).wait()

            @pl.when(j + 4 < NCHUNK)
            def _():
                jn = j + 4
                pltpu.async_copy(tbl.at[srcv.at[jn]],
                                 rows.at[lax.rem(jn, 8)], sem)

            cur = lax.rem(j, 8)
            pltpu.make_async_copy(tbl.at[srcv.at[j]], rows.at[cur],
                                  sem).wait()
            pltpu.async_copy(rows.at[cur], acc.at[dstv.at[j]], sems,
                             add=True)
            return carry

        lax.fori_loop(0, NCHUNK, body, 0)
        for b in range(4):
            pltpu.make_async_copy(rows.at[b], acc.at[dstv.at[0]],
                                  sems).wait()
        plsc.subcore_barrier()

        @pl.when(cid == 0)
        def _():
            pltpu.sync_copy(acc.at[pl.ds(sid * RPT, RPT)],
                            out0.at[pl.ds(sid * RPT, RPT)])

        @pl.when(cid == 1)
        def _():
            pltpu.sync_copy(acc.at[pl.ds(sid * RPT, RPT)],
                            out1.at[pl.ds(sid * RPT, RPT)])

    return k(feat, src3, dst3, zeros)


def _proj_call(x, w):
    def body(x_ref, w_ref, o_ref):
        o_ref[...] = jnp.dot(x_ref[...], w_ref[...],
                             preferred_element_type=jnp.float32)

    return pl.pallas_call(
        body,
        grid=(5,),
        in_specs=[
            pl.BlockSpec((2000, IN_CH), lambda i: (i, 0)),
            pl.BlockSpec((IN_CH, 2 * HID), lambda i: (0, 0)),
        ],
        out_specs=pl.BlockSpec((2000, 2 * HID), lambda i: (i, 0)),
        out_shape=jax.ShapeDtypeStruct((N_NODES, 2 * HID), jnp.float32),
    )(x, w)


def _mlp1_call(p, a0, a1, b1, W2, b2):
    def body(p_ref, a0_ref, a1_ref, b1_ref, W2_ref, b2_ref, o_ref):
        t = p_ref[...] + a0_ref[...] + a1_ref[...] + b1_ref[...]
        t = jnp.maximum(t, 0.0)
        h = jnp.dot(t, W2_ref[...], preferred_element_type=jnp.float32)
        o_ref[...] = jnp.maximum(h + b2_ref[...], 0.0)

    return pl.pallas_call(
        body,
        grid=(2,),
        in_specs=[
            pl.BlockSpec((N_NODES // 2, 2 * HID), lambda i: (i, 0)),
            pl.BlockSpec((N_NODES // 2, 2 * HID), lambda i: (i, 0)),
            pl.BlockSpec((N_NODES // 2, 2 * HID), lambda i: (i, 0)),
            pl.BlockSpec((1, 2 * HID), lambda i: (0, 0)),
            pl.BlockSpec((2 * HID, HID), lambda i: (0, 0)),
            pl.BlockSpec((1, HID), lambda i: (0, 0)),
        ],
        out_specs=pl.BlockSpec((N_NODES // 2, HID), lambda i: (i, 0)),
        out_shape=jax.ShapeDtypeStruct((N_NODES, HID), jnp.float32),
    )(p, a0, a1, b1, W2, b2)


def _mlp2_call(h1, a0, a1, W1, b1, W2, b2, fcW, fcb):
    def body(h_ref, a0_ref, a1_ref, W1_ref, b1_ref, W2_ref, b2_ref,
             fcW_ref, fcb_ref, o_ref):
        t = h_ref[...] + a0_ref[...] + a1_ref[...]
        u = jnp.dot(t, W1_ref[...], preferred_element_type=jnp.float32)
        u = jnp.maximum(u + b1_ref[...], 0.0)
        v = jnp.dot(u, W2_ref[...], preferred_element_type=jnp.float32)
        v = jnp.maximum(v + b2_ref[...], 0.0)
        o_ref[...] = jnp.dot(v, fcW_ref[...],
                             preferred_element_type=jnp.float32) + fcb_ref[...]

    return pl.pallas_call(
        body,
        grid=(2,),
        in_specs=[
            pl.BlockSpec((N_NODES // 2, HID), lambda i: (i, 0)),
            pl.BlockSpec((N_NODES // 2, HID), lambda i: (i, 0)),
            pl.BlockSpec((N_NODES // 2, HID), lambda i: (i, 0)),
            pl.BlockSpec((HID, 2 * HID), lambda i: (0, 0)),
            pl.BlockSpec((1, 2 * HID), lambda i: (0, 0)),
            pl.BlockSpec((2 * HID, HID), lambda i: (0, 0)),
            pl.BlockSpec((1, HID), lambda i: (0, 0)),
            pl.BlockSpec((HID, NUM_CLASSES), lambda i: (0, 0)),
            pl.BlockSpec((1, NUM_CLASSES), lambda i: (0, 0)),
        ],
        out_specs=pl.BlockSpec((N_NODES // 2, NUM_CLASSES), lambda i: (i, 0)),
        out_shape=jax.ShapeDtypeStruct((N_NODES, NUM_CLASSES), jnp.float32),
    )(h1, a0, a1, W1, b1, W2, b2, fcW, fcb)


def kernel(x, edge_index, c1W1, c1b1, c1W2, c1b2,
           c2W1, c2b1, c2W2, c2b2, fcW, fcb):
    ei = edge_index.astype(jnp.int32)
    src3 = ei[0].reshape(NW, NCHUNK, CHUNK)
    dst3 = ei[1].reshape(NW, NCHUNK, CHUNK)
    zeros32 = jnp.zeros((RPT, 2 * HID), jnp.float32)
    zeros16 = jnp.zeros((RPT, HID), jnp.float32)

    p = _proj_call(x, c1W1)
    a0, a1 = _scatter_add_call(p, src3, dst3, zeros32, 2 * HID)
    h1 = _mlp1_call(p, a0, a1, c1b1.reshape(1, -1), c1W2,
                    c1b2.reshape(1, -1))
    g0, g1 = _scatter_add_call(h1, src3, dst3, zeros16, HID)
    logits = _mlp2_call(h1, g0, g1, c2W1, c2b1.reshape(1, -1), c2W2,
                        c2b2.reshape(1, -1), fcW, fcb.reshape(1, -1))
    return logits

# --- scband reference (transcript-rebuilt; emitter-appended) ---
"""Pipeline reference for scband-ginclassifier-88742614270552 (READ-ONLY COPY).

The authoritative reference and input builder live on the scoring server;
editing this copy changes nothing except your own understanding.
"""

import jax, jax.numpy as jnp
import numpy as np

IN_CH = 128
HID = 16
NUM_CLASSES = 40
N_NODES = 10000
N_EDGES = 320000


def setup_inputs(seed: int = 0) -> dict:
    key = jax.random.key(seed)
    ks = [jax.random.fold_in(key, i) for i in range(16)]
    x = jax.random.normal(ks[0], (N_NODES, IN_CH), dtype=jnp.float32)
    edge_index = jax.random.randint(ks[1], (2, N_EDGES), 0, N_NODES, dtype=jnp.int64)
    # GINConv1 MLP: [IN_CH, 2*HID, HID]
    c1W1 = jax.random.normal(ks[2], (IN_CH, 2 * HID), dtype=jnp.float32) * (1.0 / np.sqrt(IN_CH))
    c1b1 = jnp.zeros((2 * HID,), dtype=jnp.float32)
    c1W2 = jax.random.normal(ks[3], (2 * HID, HID), dtype=jnp.float32) * (1.0 / np.sqrt(2 * HID))
    c1b2 = jnp.zeros((HID,), dtype=jnp.float32)
    # GINConv2 MLP: [HID, 2*HID, HID]
    c2W1 = jax.random.normal(ks[4], (HID, 2 * HID), dtype=jnp.float32) * (1.0 / np.sqrt(HID))
    c2b1 = jnp.zeros((2 * HID,), dtype=jnp.float32)
    c2W2 = jax.random.normal(ks[5], (2 * HID, HID), dtype=jnp.float32) * (1.0 / np.sqrt(2 * HID))
    c2b2 = jnp.zeros((HID,), dtype=jnp.float32)
    # final linear
    fcW = jax.random.normal(ks[6], (HID, NUM_CLASSES), dtype=jnp.float32) * (1.0 / np.sqrt(HID))
    fcb = jnp.zeros((NUM_CLASSES,), dtype=jnp.float32)
    return {
        "x": x, "edge_index": edge_index,
        "c1W1": c1W1, "c1b1": c1b1, "c1W2": c1W2, "c1b2": c1b2,
        "c2W1": c2W1, "c2b1": c2b1, "c2W2": c2W2, "c2b2": c2b2,
        "fcW": fcW, "fcb": fcb,
    }


def _gin_conv(x, edge_index, W1, b1, W2, b2, eps=0.0):
    src = edge_index[0]
    dst = edge_index[1]
    # sum-aggregate neighbor features (scatter-add)
    agg = jnp.zeros_like(x).at[dst].add(x[src])
    h = (1.0 + eps) * x + agg
    h = jax.nn.relu(h @ W1 + b1)
    h = h @ W2 + b2
    return h


def reference(x, edge_index, c1W1, c1b1, c1W2, c1b2, c2W1, c2b1, c2W2, c2b2, fcW, fcb):
    h = _gin_conv(x, edge_index, c1W1, c1b1, c1W2, c1b2)
    h = jax.nn.relu(h)
    h = _gin_conv(h, edge_index, c2W1, c2b1, c2W2, c2b2)
    h = jax.nn.relu(h)
    h = h.reshape(-1, HID)
    logits = h @ fcW + fcb
    return logits

if __name__ == "__main__":
    import jax
    _d = setup_inputs()
    print(jax.jit(kernel)(*tuple(_d.values())))

</pallas_src>

<mosaic_0001>
#map = affine_map<(d0, d1) -> (0, 0)>
#map1 = affine_map<(d0, d1) -> (0, 0, 0)>
module attributes {stable_mosaic.version = 14 : i64} {
  func.func @k(%arg0: i32, %arg1: i32, %arg2: memref<10000x32xf32, #tpu.memory_space<hbm>>, %arg3: memref<32x100x100xi32, #tpu.memory_space<hbm>>, %arg4: memref<32x100x100xi32, #tpu.memory_space<hbm>>, %arg5: memref<640x32xf32, #tpu.memory_space<hbm>>, %arg6: memref<10240x32xf32, #tpu.memory_space<hbm>>, %arg7: memref<10240x32xf32, #tpu.memory_space<hbm>>, %arg8: memref<100x100xi32, #tpu.memory_space<vmem>>, %arg9: memref<100x100xi32, #tpu.memory_space<vmem>>, %arg10: memref<8x100x32xf32, #tpu.memory_space<vmem>>, %arg11: memref<10240x32xf32, #tpu.memory_space<vmem_shared>>, %arg12: memref<10000x32xf32, #tpu.memory_space<vmem_shared>>, %arg13: memref<!tpu.dma_semaphore, #tpu.memory_space<semaphore_mem>>, %arg14: memref<!tpu.dma_semaphore, #tpu.memory_space<semaphore_mem>>, %arg15: memref<!tpu.dma_semaphore, #tpu.memory_space<semaphore_mem>>) attributes {dimension_semantics = [#tpu.dimension_semantics<core_parallel>, #tpu.dimension_semantics<subcore_parallel>], iteration_bounds = array<i64: 2, 16>, scalar_prefetch = 0 : i64, scratch_operands = 8 : i64, tpu.core_type = #tpu.core_type<sc_vector_subcore>, window_params = [{transform_indices = #map}, {transform_indices = #map1}, {transform_indices = #map1}, {transform_indices = #map}, {transform_indices = #map}, {transform_indices = #map}]} {
    %mul3A = arith.constant 2 : i32
    %mul3A_0 = arith.muli %arg1, %mul3A : i32
    %add3A = arith.addi %mul3A_0, %arg0 : i32
    %mul3A_1 = arith.constant 640 : i32
    %mul3A_2 = arith.muli %arg1, %mul3A_1 : i32
    %dma_start3A = arith.constant 0 : i32
    %dma_start3A_3 = tpu.memref_slice %arg11[%mul3A_2, %dma_start3A] : memref<10240x32xf32, #tpu.memory_space<vmem_shared>> -> memref<640x32xf32, #tpu.memory_space<vmem_shared>>
    tpu.enqueue_dma source(%arg5 : memref<640x32xf32, #tpu.memory_space<hbm>>) target(%dma_start3A_3 : memref<640x32xf32, #tpu.memory_space<vmem_shared>>) target_semaphore(%arg14 : memref<!tpu.dma_semaphore, #tpu.memory_space<semaphore_mem>>)
    %mul3A_4 = arith.constant 625 : i32
    %mul3A_5 = arith.muli %arg1, %mul3A_4 : i32
    %mul3A_6 = arith.constant 625 : i32
    %mul3A_7 = arith.muli %arg1, %mul3A_6 : i32
    %dma_start3A_8 = arith.constant 0 : i32
    %dma_start3A_9 = tpu.memref_slice %arg12[%mul3A_7, %dma_start3A_8] : memref<10000x32xf32, #tpu.memory_space<vmem_shared>> -> memref<625x32xf32, #tpu.memory_space<vmem_shared>>
    %dma_start3A_10 = arith.constant 0 : i32
    %dma_start3A_11 = tpu.memref_slice %arg2[%mul3A_5, %dma_start3A_10] : memref<10000x32xf32, #tpu.memory_space<hbm>> -> memref<625x32xf32, #tpu.memory_space<hbm>>
    tpu.enqueue_dma source(%dma_start3A_11 : memref<625x32xf32, #tpu.memory_space<hbm>>) target(%dma_start3A_9 : memref<625x32xf32, #tpu.memory_space<vmem_shared>>) target_semaphore(%arg14 : memref<!tpu.dma_semaphore, #tpu.memory_space<semaphore_mem>>)
    %dma_start3A_12 = arith.constant 0 : i32
    %dma_start3A_13 = arith.constant 0 : i32
    %dma_start3A_14 = tpu.memref_slice %arg3[%add3A, %dma_start3A_12, %dma_start3A_13] : memref<32x100x100xi32, #tpu.memory_space<hbm>> -> memref<1x100x100xi32, #tpu.memory_space<hbm>>
    %dma_start3A_15 = tpu.memref_squeeze %dma_start3A_14 : memref<1x100x100xi32, #tpu.memory_space<hbm>> -> memref<100x100xi32, #tpu.memory_space<hbm>>
    %dma_start3A_16 = arith.constant 0 : i32
    %dma_start3A_17 = arith.constant 0 : i32
    %dma_start3A_18 = tpu.memref_slice %arg3[%add3A, %dma_start3A_16, %dma_start3A_17] : memref<32x100x100xi32, #tpu.memory_space<hbm>> -> memref<1x100x100xi32, #tpu.memory_space<hbm>>
    %dma_start3A_19 = tpu.memref_squeeze %dma_start3A_18 : memref<1x100x100xi32, #tpu.memory_space<hbm>> -> memref<100x100xi32, #tpu.memory_space<hbm>>
    tpu.enqueue_dma source(%dma_start3A_19 : memref<100x100xi32, #tpu.memory_space<hbm>>) target(%arg8 : memref<100x100xi32, #tpu.memory_space<vmem>>) target_semaphore(%arg14 : memref<!tpu.dma_semaphore, #tpu.memory_space<semaphore_mem>>)
    %dma_start3A_20 = arith.constant 0 : i32
    %dma_start3A_21 = arith.constant 0 : i32
    %dma_start3A_22 = tpu.memref_slice %arg4[%add3A, %dma_start3A_20, %dma_start3A_21] : memref<32x100x100xi32, #tpu.memory_space<hbm>> -> memref<1x100x100xi32, #tpu.memory_space<hbm>>
    %dma_start3A_23 = tpu.memref_squeeze %dma_start3A_22 : memref<1x100x100xi32, #tpu.memory_space<hbm>> -> memref<100x100xi32, #tpu.memory_space<hbm>>
    %dma_start3A_24 = arith.constant 0 : i32
    %dma_start3A_25 = arith.constant 0 : i32
    %dma_start3A_26 = tpu.memref_slice %arg4[%add3A, %dma_start3A_24, %dma_start3A_25] : memref<32x100x100xi32, #tpu.memory_space<hbm>> -> memref<1x100x100xi32, #tpu.memory_space<hbm>>
    %dma_start3A_27 = tpu.memref_squeeze %dma_start3A_26 : memref<1x100x100xi32, #tpu.memory_space<hbm>> -> memref<100x100xi32, #tpu.memory_space<hbm>>
    tpu.enqueue_dma source(%dma_start3A_27 : memref<100x100xi32, #tpu.memory_space<hbm>>) target(%arg9 : memref<100x100xi32, #tpu.memory_space<vmem>>) target_semaphore(%arg14 : memref<!tpu.dma_semaphore, #tpu.memory_space<semaphore_mem>>)
    %dma_wait3A = arith.constant 0 : i32
    %dma_wait3A_28 = tpu.memref_slice %arg11[%mul3A_2, %dma_wait3A] : memref<10240x32xf32, #tpu.memory_space<vmem_shared>> -> memref<640x32xf32, #tpu.memory_space<vmem_shared>>
    tpu.wait_dma2 semaphore(%arg14 : memref<!tpu.dma_semaphore, #tpu.memory_space<semaphore_mem>>) src(%arg5 : memref<640x32xf32, #tpu.memory_space<hbm>>) dst(%dma_wait3A_28 : memref<640x32xf32, #tpu.memory_space<vmem_shared>>)
    %dma_wait3A_29 = arith.constant 0 : i32
    %dma_wait3A_30 = tpu.memref_slice %arg12[%mul3A_7, %dma_wait3A_29] : memref<10000x32xf32, #tpu.memory_space<vmem_shared>> -> memref<625x32xf32, #tpu.memory_space<vmem_shared>>
    %dma_wait3A_31 = arith.constant 0 : i32
    %dma_wait3A_32 = tpu.memref_slice %arg2[%mul3A_5, %dma_wait3A_31] : memref<10000x32xf32, #tpu.memory_space<hbm>> -> memref<625x32xf32, #tpu.memory_space<hbm>>
    tpu.wait_dma2 semaphore(%arg14 : memref<!tpu.dma_semaphore, #tpu.memory_space<semaphore_mem>>) src(%dma_wait3A_32 : memref<625x32xf32, #tpu.memory_space<hbm>>) dst(%dma_wait3A_30 : memref<625x32xf32, #tpu.memory_space<vmem_shared>>)
    %dma_wait3A_33 = arith.constant 0 : i32
    %dma_wait3A_34 = arith.constant 0 : i32
    %dma_wait3A_35 = tpu.memref_slice %arg3[%add3A, %dma_wait3A_33, %dma_wait3A_34] : memref<32x100x100xi32, #tpu.memory_space<hbm>> -> memref<1x100x100xi32, #tpu.memory_space<hbm>>
    %dma_wait3A_36 = tpu.memref_squeeze %dma_wait3A_35 : memref<1x100x100xi32, #tpu.memory_space<hbm>> -> memref<100x100xi32, #tpu.memory_space<hbm>>
    %dma_wait3A_37 = arith.constant 0 : i32
    %dma_wait3A_38 = arith.constant 0 : i32
    %dma_wait3A_39 = tpu.memref_slice %arg3[%add3A, %dma_wait3A_37, %dma_wait3A_38] : memref<32x100x100xi32, #tpu.memory_space<hbm>> -> memref<1x100x100xi32, #tpu.memory_space<hbm>>
    %dma_wait3A_40 = tpu.memref_squeeze %dma_wait3A_39 : memref<1x100x100xi32, #tpu.memory_space<hbm>> -> memref<100x100xi32, #tpu.memory_space<hbm>>
    tpu.wait_dma2 semaphore(%arg14 : memref<!tpu.dma_semaphore, #tpu.memory_space<semaphore_mem>>) src(%dma_wait3A_40 : memref<100x100xi32, #tpu.memory_space<hbm>>) dst(%arg8 : memref<100x100xi32, #tpu.memory_space<vmem>>)
    %dma_wait3A_41 = arith.constant 0 : i32
    %dma_wait3A_42 = arith.constant 0 : i32
    %dma_wait3A_43 = tpu.memref_slice %arg4[%add3A, %dma_wait3A_41, %dma_wait3A_42] : memref<32x100x100xi32, #tpu.memory_space<hbm>> -> memref<1x100x100xi32, #tpu.memory_space<hbm>>
    %dma_wait3A_44 = tpu.memref_squeeze %dma_wait3A_43 : memref<1x100x100xi32, #tpu.memory_space<hbm>> -> memref<100x100xi32, #tpu.memory_space<hbm>>
    %dma_wait3A_45 = arith.constant 0 : i32
    %dma_wait3A_46 = arith.constant 0 : i32
    %dma_wait3A_47 = tpu.memref_slice %arg4[%add3A, %dma_wait3A_45, %dma_wait3A_46] : memref<32x100x100xi32, #tpu.memory_space<hbm>> -> memref<1x100x100xi32, #tpu.memory_space<hbm>>
    %dma_wait3A_48 = tpu.memref_squeeze %dma_wait3A_47 : memref<1x100x100xi32, #tpu.memory_space<hbm>> -> memref<100x100xi32, #tpu.memory_space<hbm>>
    tpu.wait_dma2 semaphore(%arg14 : memref<!tpu.dma_semaphore, #tpu.memory_space<semaphore_mem>>) src(%dma_wait3A_48 : memref<100x100xi32, #tpu.memory_space<hbm>>) dst(%arg9 : memref<100x100xi32, #tpu.memory_space<vmem>>)
    %barrier3A = arith.constant 0 : index
    tpu.barrier barrier_id(%barrier3A)
    %dma_start3A_49 = arith.constant 0 : i32
    %dma_start3A_50 = arith.constant 0 : i32
    %dma_start3A_51 = arith.constant 0 : i32
    %dma_start3A_52 = arith.constant 0 : i32
    %dma_start3A_53 = tpu.memref_slice %arg10[%dma_start3A_50, %dma_start3A_51, %dma_start3A_52] : memref<8x100x32xf32, #tpu.memory_space<vmem>> -> memref<1x100x32xf32, #tpu.memory_space<vmem>>
    %dma_start3A_54 = tpu.memref_squeeze %dma_start3A_53 : memref<1x100x32xf32, #tpu.memory_space<vmem>> -> memref<100x32xf32, #tpu.memory_space<vmem>>
    %dma_start3A_55 = arith.constant 0 : i32
    %dma_start3A_56 = tpu.memref_slice %arg8[%dma_start3A_49, %dma_start3A_55] : memref<100x100xi32, #tpu.memory_space<vmem>> -> memref<1x100xi32, #tpu.memory_space<vmem>>
    %dma_start3A_57 = tpu.memref_squeeze %dma_start3A_56 : memref<1x100xi32, #tpu.memory_space<vmem>> -> memref<100xi32, #tpu.memory_space<vmem>>
    %dma_start3A_58 = arith.constant 0 : i32
    %dma_start3A_59 = arith.constant 0 : i32
    %dma_start3A_60 = tpu.memref_slice %arg12[%dma_start3A_58, %dma_start3A_59] : memref<10000x32xf32, #tpu.memory_space<vmem_shared>> -> memref<10000x32xf32, #tpu.memory_space<vmem_shared>>
    tpu.enqueue_indirect_dma source(%dma_start3A_60 : memref<10000x32xf32, #tpu.memory_space<vmem_shared>>) target(%dma_start3A_54 : memref<100x32xf32, #tpu.memory_space<vmem>>) offsets(%dma_start3A_57 : memref<100xi32, #tpu.memory_space<vmem>>) semaphore(%arg13 : memref<!tpu.dma_semaphore, #tpu.memory_space<semaphore_mem>>)
    %dma_start3A_61 = arith.constant 1 : i32
    %dma_start3A_62 = arith.constant 1 : i32
    %dma_start3A_63 = arith.constant 0 : i32
    %dma_start3A_64 = arith.constant 0 : i32
    %dma_start3A_65 = tpu.memref_slice %arg10[%dma_start3A_62, %dma_start3A_63, %dma_start3A_64] : memref<8x100x32xf32, #tpu.memory_space<vmem>> -> memref<1x100x32xf32, #tpu.memory_space<vmem>>
    %dma_start3A_66 = tpu.memref_squeeze %dma_start3A_65 : memref<1x100x32xf32, #tpu.memory_space<vmem>> -> memref<100x32xf32, #tpu.memory_space<vmem>>
    %dma_start3A_67 = arith.constant 0 : i32
    %dma_start3A_68 = tpu.memref_slice %arg8[%dma_start3A_61, %dma_start3A_67] : memref<100x100xi32, #tpu.memory_space<vmem>> -> memref<1x100xi32, #tpu.memory_space<vmem>>
    %dma_start3A_69 = tpu.memref_squeeze %dma_start3A_68 : memref<1x100xi32, #tpu.memory_space<vmem>> -> memref<100xi32, #tpu.memory_space<vmem>>
    %dma_start3A_70 = arith.constant 0 : i32
    %dma_start3A_71 = arith.constant 0 : i32
    %dma_start3A_72 = tpu.memref_slice %arg12[%dma_start3A_70, %dma_start3A_71] : memref<10000x32xf32, #tpu.memory_space<vmem_shared>> -> memref<10000x32xf32, #tpu.memory_space<vmem_shared>>
    tpu.enqueue_indirect_dma source(%dma_start3A_72 : memref<10000x32xf32, #tpu.memory_space<vmem_shared>>) target(%dma_start3A_66 : memref<100x32xf32, #tpu.memory_space<vmem>>) offsets(%dma_start3A_69 : memref<100xi32, #tpu.memory_space<vmem>>) semaphore(%arg13 : memref<!tpu.dma_semaphore, #tpu.memory_space<semaphore_mem>>)
    %dma_start3A_73 = arith.constant 2 : i32
    %dma_start3A_74 = arith.constant 2 : i32
    %dma_start3A_75 = arith.constant 0 : i32
    %dma_start3A_76 = arith.constant 0 : i32
    %dma_start3A_77 = tpu.memref_slice %arg10[%dma_start3A_74, %dma_start3A_75, %dma_start3A_76] : memref<8x100x32xf32, #tpu.memory_space<vmem>> -> memref<1x100x32xf32, #tpu.memory_space<vmem>>
    %dma_start3A_78 = tpu.memref_squeeze %dma_start3A_77 : memref<1x100x32xf32, #tpu.memory_space<vmem>> -> memref<100x32xf32, #tpu.memory_space<vmem>>
    %dma_start3A_79 = arith.constant 0 : i32
    %dma_start3A_80 = tpu.memref_slice %arg8[%dma_start3A_73, %dma_start3A_79] : memref<100x100xi32, #tpu.memory_space<vmem>> -> memref<1x100xi32, #tpu.memory_space<vmem>>
    %dma_start3A_81 = tpu.memref_squeeze %dma_start3A_80 : memref<1x100xi32, #tpu.memory_space<vmem>> -> memref<100xi32, #tpu.memory_space<vmem>>
    %dma_start3A_82 = arith.constant 0 : i32
    %dma_start3A_83 = arith.constant 0 : i32
    %dma_start3A_84 = tpu.memref_slice %arg12[%dma_start3A_82, %dma_start3A_83] : memref<10000x32xf32, #tpu.memory_space<vmem_shared>> -> memref<10000x32xf32, #tpu.memory_space<vmem_shared>>
    tpu.enqueue_indirect_dma source(%dma_start3A_84 : memref<10000x32xf32, #tpu.memory_space<vmem_shared>>) target(%dma_start3A_78 : memref<100x32xf32, #tpu.memory_space<vmem>>) offsets(%dma_start3A_81 : memref<100xi32, #tpu.memory_space<vmem>>) semaphore(%arg13 : memref<!tpu.dma_semaphore, #tpu.memory_space<semaphore_mem>>)
    %dma_start3A_85 = arith.constant 3 : i32
    %dma_start3A_86 = arith.constant 3 : i32
    %dma_start3A_87 = arith.constant 0 : i32
    %dma_start3A_88 = arith.constant 0 : i32
    %dma_start3A_89 = tpu.memref_slice %arg10[%dma_start3A_86, %dma_start3A_87, %dma_start3A_88] : memref<8x100x32xf32, #tpu.memory_space<vmem>> -> memref<1x100x32xf32, #tpu.memory_space<vmem>>
    %dma_start3A_90 = tpu.memref_squeeze %dma_start3A_89 : memref<1x100x32xf32, #tpu.memory_space<vmem>> -> memref<100x32xf32, #tpu.memory_space<vmem>>
    %dma_start3A_91 = arith.constant 0 : i32
    %dma_start3A_92 = tpu.memref_slice %arg8[%dma_start3A_85, %dma_start3A_91] : memref<100x100xi32, #tpu.memory_space<vmem>> -> memref<1x100xi32, #tpu.memory_space<vmem>>
    %dma_start3A_93 = tpu.memref_squeeze %dma_start3A_92 : memref<1x100xi32, #tpu.memory_space<vmem>> -> memref<100xi32, #tpu.memory_space<vmem>>
    %dma_start3A_94 = arith.constant 0 : i32
    %dma_start3A_95 = arith.constant 0 : i32
    %dma_start3A_96 = tpu.memref_slice %arg12[%dma_start3A_94, %dma_start3A_95] : memref<10000x32xf32, #tpu.memory_space<vmem_shared>> -> memref<10000x32xf32, #tpu.memory_space<vmem_shared>>
    tpu.enqueue_indirect_dma source(%dma_start3A_96 : memref<10000x32xf32, #tpu.memory_space<vmem_shared>>) target(%dma_start3A_90 : memref<100x32xf32, #tpu.memory_space<vmem>>) offsets(%dma_start3A_93 : memref<100xi32, #tpu.memory_space<vmem>>) semaphore(%arg13 : memref<!tpu.dma_semaphore, #tpu.memory_space<semaphore_mem>>)
    %scan3A = arith.constant 0 : i32
    %scan3A_97 = arith.constant 0 : i32
    %scan3A_98 = arith.constant 100 : i32
    %scan3A_99 = arith.addi %scan3A_97, %scan3A_98 : i32
    %scan3A_100 = arith.constant 1 : i32
    scf.for %scan3A_158 = %scan3A_97 to %scan3A_99 step %scan3A_100  : i32 {
      %ge3A = arith.constant 4 : i32
      %ge3A_159 = arith.cmpi sge, %scan3A_158, %ge3A : i32
      %convert_element_type3A_160 = arith.extui %ge3A_159 : i1 to i32
      %cond3A_161 = arith.constant 0 : i32
      %cond3A_162 = arith.cmpi ne, %convert_element_type3A_160, %cond3A_161 : i32
      scf.if %cond3A_162 {
        %rem3A_190 = arith.constant 8 : i32
        %rem3A_191 = arith.remsi %scan3A_158, %rem3A_190 : i32
        %sub3A = arith.constant 4 : i32
        %sub3A_192 = arith.subi %scan3A_158, %sub3A : i32
        %dma_wait3A_193 = arith.constant 0 : i32
        %dma_wait3A_194 = arith.constant 0 : i32
        %dma_wait3A_195 = tpu.memref_slice %arg10[%rem3A_191, %dma_wait3A_193, %dma_wait3A_194] : memref<8x100x32xf32, #tpu.memory_space<vmem>> -> memref<1x100x32xf32, #tpu.memory_space<vmem>>
        %dma_wait3A_196 = tpu.memref_squeeze %dma_wait3A_195 : memref<1x100x32xf32, #tpu.memory_space<vmem>> -> memref<100x32xf32, #tpu.memory_space<vmem>>
        %dma_wait3A_197 = arith.constant 0 : i32
        %dma_wait3A_198 = tpu.memref_slice %arg9[%sub3A_192, %dma_wait3A_197] : memref<100x100xi32, #tpu.memory_space<vmem>> -> memref<1x100xi32, #tpu.memory_space<vmem>>
        %dma_wait3A_199 = tpu.memref_squeeze %dma_wait3A_198 : memref<1x100xi32, #tpu.memory_space<vmem>> -> memref<100xi32, #tpu.memory_space<vmem>>
        %dma_wait3A_200 = arith.constant 0 : i32
        %dma_wait3A_201 = arith.constant 0 : i32
        %dma_wait3A_202 = tpu.memref_slice %arg11[%dma_wait3A_200, %dma_wait3A_201] : memref<10240x32xf32, #tpu.memory_space<vmem_shared>> -> memref<10240x32xf32, #tpu.memory_space<vmem_shared>>
        tpu.wait_indirect_dma semaphore(%arg15 : memref<!tpu.dma_semaphore, #tpu.memory_space<semaphore_mem>>) src(%dma_wait3A_196 : memref<100x32xf32, #tpu.memory_space<vmem>>) dst(%dma_wait3A_202 : memref<10240x32xf32, #tpu.memory_space<vmem_shared>>)
      } else {
      }
      %add3A_163 = arith.constant 4 : i32
      %add3A_164 = arith.addi %scan3A_158, %add3A_163 : i32
      %lt3A = arith.constant 100 : i32
      %lt3A_165 = arith.cmpi slt, %add3A_164, %lt3A : i32
      %convert_element_type3A_166 = arith.extui %lt3A_165 : i1 to i32
      %cond3A_167 = arith.constant 0 : i32
      %cond3A_168 = arith.cmpi ne, %convert_element_type3A_166, %cond3A_167 : i32
      scf.if %cond3A_168 {
        %add3A_190 = arith.constant 4 : i32
        %add3A_191 = arith.addi %scan3A_158, %add3A_190 : i32
        %rem3A_192 = arith.constant 8 : i32
        %rem3A_193 = arith.remsi %add3A_191, %rem3A_192 : i32
        %dma_start3A_194 = arith.constant 0 : i32
        %dma_start3A_195 = arith.constant 0 : i32
        %dma_start3A_196 = tpu.memref_slice %arg10[%rem3A_193, %dma_start3A_194, %dma_start3A_195] : memref<8x100x32xf32, #tpu.memory_space<vmem>> -> memref<1x100x32xf32, #tpu.memory_space<vmem>>
        %dma_start3A_197 = tpu.memref_squeeze %dma_start3A_196 : memref<1x100x32xf32, #tpu.memory_space<vmem>> -> memref<100x32xf32, #tpu.memory_space<vmem>>
        %dma_start3A_198 = arith.constant 0 : i32
        %dma_start3A_199 = tpu.memref_slice %arg8[%add3A_191, %dma_start3A_198] : memref<100x100xi32, #tpu.memory_space<vmem>> -> memref<1x100xi32, #tpu.memory_space<vmem>>
        %dma_start3A_200 = tpu.memref_squeeze %dma_start3A_199 : memref<1x100xi32, #tpu.memory_space<vmem>> -> memref<100xi32, #tpu.memory_space<vmem>>
        %dma_start3A_201 = arith.constant 0 : i32
        %dma_start3A_202 = arith.constant 0 : i32
        %dma_start3A_203 = tpu.memref_slice %arg12[%dma_start3A_201, %dma_start3A_202] : memref<10000x32xf32, #tpu.memory_space<vmem_shared>> -> memref<10000x32xf32, #tpu.memory_space<vmem_shared>>
        tpu.enqueue_indirect_dma source(%dma_start3A_203 : memref<10000x32xf32, #tpu.memory_space<vmem_shared>>) target(%dma_start3A_197 : memref<100x32xf32, #tpu.memory_space<vmem>>) offsets(%dma_start3A_200 : memref<100xi32, #tpu.memory_space<vmem>>) semaphore(%arg13 : memref<!tpu.dma_semaphore, #tpu.memory_space<semaphore_mem>>)
      } else {
      }
      %rem3A = arith.constant 8 : i32
      %rem3A_169 = arith.remsi %scan3A_158, %rem3A : i32
      %dma_wait3A_170 = arith.constant 0 : i32
      %dma_wait3A_171 = arith.constant 0 : i32
      %dma_wait3A_172 = tpu.memref_slice %arg10[%rem3A_169, %dma_wait3A_170, %dma_wait3A_171] : memref<8x100x32xf32, #tpu.memory_space<vmem>> -> memref<1x100x32xf32, #tpu.memory_space<vmem>>
      %dma_wait3A_173 = tpu.memref_squeeze %dma_wait3A_172 : memref<1x100x32xf32, #tpu.memory_space<vmem>> -> memref<100x32xf32, #tpu.memory_space<vmem>>
      %dma_wait3A_174 = arith.constant 0 : i32
      %dma_wait3A_175 = tpu.memref_slice %arg8[%scan3A_158, %dma_wait3A_174] : memref<100x100xi32, #tpu.memory_space<vmem>> -> memref<1x100xi32, #tpu.memory_space<vmem>>
      %dma_wait3A_176 = tpu.memref_squeeze %dma_wait3A_175 : memref<1x100xi32, #tpu.memory_space<vmem>> -> memref<100xi32, #tpu.memory_space<vmem>>
      %dma_wait3A_177 = arith.constant 0 : i32
      %dma_wait3A_178 = arith.constant 0 : i32
      %dma_wait3A_179 = tpu.memref_slice %arg12[%dma_wait3A_177, %dma_wait3A_178] : memref<10000x32xf32, #tpu.memory_space<vmem_shared>> -> memref<10000x32xf32, #tpu.memory_space<vmem_shared>>
      tpu.wait_indirect_dma semaphore(%arg13 : memref<!tpu.dma_semaphore, #tpu.memory_space<semaphore_mem>>) src(%dma_wait3A_179 : memref<10000x32xf32, #tpu.memory_space<vmem_shared>>) dst(%dma_wait3A_173 : memref<100x32xf32, #tpu.memory_space<vmem>>)
      %dma_start3A_180 = arith.constant 0 : i32
      %dma_start3A_181 = arith.constant 0 : i32
      %dma_start3A_182 = tpu.memref_slice %arg10[%rem3A_169, %dma_start3A_180, %dma_start3A_181] : memref<8x100x32xf32, #tpu.memory_space<vmem>> -> memref<1x100x32xf32, #tpu.memory_space<vmem>>
      %dma_start3A_183 = tpu.memref_squeeze %dma_start3A_182 : memref<1x100x32xf32, #tpu.memory_space<vmem>> -> memref<100x32xf32, #tpu.memory_space<vmem>>
      %dma_start3A_184 = arith.constant 0 : i32
      %dma_start3A_185 = tpu.memref_slice %arg9[%scan3A_158, %dma_start3A_184] : memref<100x100xi32, #tpu.memory_space<vmem>> -> memref<1x100xi32, #tpu.memory_space<vmem>>
      %dma_start3A_186 = tpu.memref_squeeze %dma_start3A_185 : memref<1x100xi32, #tpu.memory_space<vmem>> -> memref<100xi32, #tpu.memory_space<vmem>>
      %dma_start3A_187 = arith.constant 0 : i32
      %dma_start3A_188 = arith.constant 0 : i32
      %dma_start3A_189 = tpu.memref_slice %arg11[%dma_start3A_187, %dma_start3A_188] : memref<10240x32xf32, #tpu.memory_space<vmem_shared>> -> memref<10240x32xf32, #tpu.memory_space<vmem_shared>>
      tpu.enqueue_indirect_dma source(%dma_start3A_183 : memref<100x32xf32, #tpu.memory_space<vmem>>) target(%dma_start3A_189 : memref<10240x32xf32, #tpu.memory_space<vmem_shared>>) offsets(%dma_start3A_186 : memref<100xi32, #tpu.memory_space<vmem>>) semaphore(%arg15 : memref<!tpu.dma_semaphore, #tpu.memory_space<semaphore_mem>>) {add = true}
    }
    %scan3A_101 = arith.constant 100 : i32
    %dma_wait3A_102 = arith.constant 0 : i32
    %dma_wait3A_103 = arith.constant 0 : i32
    %dma_wait3A_104 = arith.constant 0 : i32
    %dma_wait3A_105 = arith.constant 0 : i32
    %dma_wait3A_106 = tpu.memref_slice %arg10[%dma_wait3A_102, %dma_wait3A_104, %dma_wait3A_105] : memref<8x100x32xf32, #tpu.memory_space<vmem>> -> memref<1x100x32xf32, #tpu.memory_space<vmem>>
    %dma_wait3A_107 = tpu.memref_squeeze %dma_wait3A_106 : memref<1x100x32xf32, #tpu.memory_space<vmem>> -> memref<100x32xf32, #tpu.memory_space<vmem>>
    %dma_wait3A_108 = arith.constant 0 : i32
    %dma_wait3A_109 = tpu.memref_slice %arg9[%dma_wait3A_103, %dma_wait3A_108] : memref<100x100xi32, #tpu.memory_space<vmem>> -> memref<1x100xi32, #tpu.memory_space<vmem>>
    %dma_wait3A_110 = tpu.memref_squeeze %dma_wait3A_109 : memref<1x100xi32, #tpu.memory_space<vmem>> -> memref<100xi32, #tpu.memory_space<vmem>>
    %dma_wait3A_111 = arith.constant 0 : i32
    %dma_wait3A_112 = arith.constant 0 : i32
    %dma_wait3A_113 = tpu.memref_slice %arg11[%dma_wait3A_111, %dma_wait3A_112] : memref<10240x32xf32, #tpu.memory_space<vmem_shared>> -> memref<10240x32xf32, #tpu.memory_space<vmem_shared>>
    tpu.wait_indirect_dma semaphore(%arg15 : memref<!tpu.dma_semaphore, #tpu.memory_space<semaphore_mem>>) src(%dma_wait3A_107 : memref<100x32xf32, #tpu.memory_space<vmem>>) dst(%dma_wait3A_113 : memref<10240x32xf32, #tpu.memory_space<vmem_shared>>)
    %dma_wait3A_114 = arith.constant 1 : i32
    %dma_wait3A_115 = arith.constant 0 : i32
    %dma_wait3A_116 = arith.constant 0 : i32
    %dma_wait3A_117 = arith.constant 0 : i32
    %dma_wait3A_118 = tpu.memref_slice %arg10[%dma_wait3A_114, %dma_wait3A_116, %dma_wait3A_117] : memref<8x100x32xf32, #tpu.memory_space<vmem>> -> memref<1x100x32xf32, #tpu.memory_space<vmem>>
    %dma_wait3A_119 = tpu.memref_squeeze %dma_wait3A_118 : memref<1x100x32xf32, #tpu.memory_space<vmem>> -> memref<100x32xf32, #tpu.memory_space<vmem>>
    %dma_wait3A_120 = arith.constant 0 : i32
    %dma_wait3A_121 = tpu.memref_slice %arg9[%dma_wait3A_115, %dma_wait3A_120] : memref<100x100xi32, #tpu.memory_space<vmem>> -> memref<1x100xi32, #tpu.memory_space<vmem>>
    %dma_wait3A_122 = tpu.memref_squeeze %dma_wait3A_121 : memref<1x100xi32, #tpu.memory_space<vmem>> -> memref<100xi32, #tpu.memory_space<vmem>>
    %dma_wait3A_123 = arith.constant 0 : i32
    %dma_wait3A_124 = arith.constant 0 : i32
    %dma_wait3A_125 = tpu.memref_slice %arg11[%dma_wait3A_123, %dma_wait3A_124] : memref<10240x32xf32, #tpu.memory_space<vmem_shared>> -> memref<10240x32xf32, #tpu.memory_space<vmem_shared>>
    tpu.wait_indirect_dma semaphore(%arg15 : memref<!tpu.dma_semaphore, #tpu.memory_space<semaphore_mem>>) src(%dma_wait3A_119 : memref<100x32xf32, #tpu.memory_space<vmem>>) dst(%dma_wait3A_125 : memref<10240x32xf32, #tpu.memory_space<vmem_shared>>)
    %dma_wait3A_126 = arith.constant 2 : i32
    %dma_wait3A_127 = arith.constant 0 : i32
    %dma_wait3A_128 = arith.constant 0 : i32
    %dma_wait3A_129 = arith.constant 0 : i32
    %dma_wait3A_130 = tpu.memref_slice %arg10[%dma_wait3A_126, %dma_wait3A_128, %dma_wait3A_129] : memref<8x100x32xf32, #tpu.memory_space<vmem>> -> memref<1x100x32xf32, #tpu.memory_space<vmem>>
    %dma_wait3A_131 = tpu.memref_squeeze %dma_wait3A_130 : memref<1x100x32xf32, #tpu.memory_space<vmem>> -> memref<100x32xf32, #tpu.memory_space<vmem>>
    %dma_wait3A_132 = arith.constant 0 : i32
    %dma_wait3A_133 = tpu.memref_slice %arg9[%dma_wait3A_127, %dma_wait3A_132] : memref<100x100xi32, #tpu.memory_space<vmem>> -> memref<1x100xi32, #tpu.memory_space<vmem>>
    %dma_wait3A_134 = tpu.memref_squeeze %dma_wait3A_133 : memref<1x100xi32, #tpu.memory_space<vmem>> -> memref<100xi32, #tpu.memory_space<vmem>>
    %dma_wait3A_135 = arith.constant 0 : i32
    %dma_wait3A_136 = arith.constant 0 : i32
    %dma_wait3A_137 = tpu.memref_slice %arg11[%dma_wait3A_135, %dma_wait3A_136] : memref<10240x32xf32, #tpu.memory_space<vmem_shared>> -> memref<10240x32xf32, #tpu.memory_space<vmem_shared>>
    tpu.wait_indirect_dma semaphore(%arg15 : memref<!tpu.dma_semaphore, #tpu.memory_space<semaphore_mem>>) src(%dma_wait3A_131 : memref<100x32xf32, #tpu.memory_space<vmem>>) dst(%dma_wait3A_137 : memref<10240x32xf32, #tpu.memory_space<vmem_shared>>)
    %dma_wait3A_138 = arith.constant 3 : i32
    %dma_wait3A_139 = arith.constant 0 : i32
    %dma_wait3A_140 = arith.constant 0 : i32
    %dma_wait3A_141 = arith.constant 0 : i32
    %dma_wait3A_142 = tpu.memref_slice %arg10[%dma_wait3A_138, %dma_wait3A_140, %dma_wait3A_141] : memref<8x100x32xf32, #tpu.memory_space<vmem>> -> memref<1x100x32xf32, #tpu.memory_space<vmem>>
    %dma_wait3A_143 = tpu.memref_squeeze %dma_wait3A_142 : memref<1x100x32xf32, #tpu.memory_space<vmem>> -> memref<100x32xf32, #tpu.memory_space<vmem>>
    %dma_wait3A_144 = arith.constant 0 : i32
    %dma_wait3A_145 = tpu.memref_slice %arg9[%dma_wait3A_139, %dma_wait3A_144] : memref<100x100xi32, #tpu.memory_space<vmem>> -> memref<1x100xi32, #tpu.memory_space<vmem>>
    %dma_wait3A_146 = tpu.memref_squeeze %dma_wait3A_145 : memref<1x100xi32, #tpu.memory_space<vmem>> -> memref<100xi32, #tpu.memory_space<vmem>>
    %dma_wait3A_147 = arith.constant 0 : i32
    %dma_wait3A_148 = arith.constant 0 : i32
    %dma_wait3A_149 = tpu.memref_slice %arg11[%dma_wait3A_147, %dma_wait3A_148] : memref<10240x32xf32, #tpu.memory_space<vmem_shared>> -> memref<10240x32xf32, #tpu.memory_space<vmem_shared>>
    tpu.wait_indirect_dma semaphore(%arg15 : memref<!tpu.dma_semaphore, #tpu.memory_space<semaphore_mem>>) src(%dma_wait3A_143 : memref<100x32xf32, #tpu.memory_space<vmem>>) dst(%dma_wait3A_149 : memref<10240x32xf32, #tpu.memory_space<vmem_shared>>)
    %barrier3A_150 = arith.constant 0 : index
    tpu.barrier barrier_id(%barrier3A_150)
    %eq3A = arith.constant 0 : i32
    %eq3A_151 = arith.cmpi eq, %arg0, %eq3A : i32
    %convert_element_type3A = arith.extui %eq3A_151 : i1 to i32
    %cond3A = arith.constant 0 : i32
    %cond3A_152 = arith.cmpi ne, %convert_element_type3A, %cond3A : i32
    scf.if %cond3A_152 {
      %mul3A_158 = arith.constant 640 : i32
      %mul3A_159 = arith.muli %arg1, %mul3A_158 : i32
      %mul3A_160 = arith.constant 640 : i32
      %mul3A_161 = arith.muli %arg1, %mul3A_160 : i32
      "tpu.region"() ({
        %run_scoped3A = tpu.sem_alloc : memref<!tpu.dma_semaphore, #tpu.memory_space<semaphore_mem>>
        %dma_start3A_162 = arith.constant 0 : i32
        %dma_start3A_163 = tpu.memref_slice %arg6[%mul3A_161, %dma_start3A_162] : memref<10240x32xf32, #tpu.memory_space<hbm>> -> memref<640x32xf32, #tpu.memory_space<hbm>>
        %dma_start3A_164 = arith.constant 0 : i32
        %dma_start3A_165 = tpu.memref_slice %arg11[%mul3A_159, %dma_start3A_164] : memref<10240x32xf32, #tpu.memory_space<vmem_shared>> -> memref<640x32xf32, #tpu.memory_space<vmem_shared>>
        tpu.enqueue_dma source(%dma_start3A_165 : memref<640x32xf32, #tpu.memory_space<vmem_shared>>) target(%dma_start3A_163 : memref<640x32xf32, #tpu.memory_space<hbm>>) target_semaphore(%run_scoped3A : memref<!tpu.dma_semaphore, #tpu.memory_space<semaphore_mem>>)
        %dma_wait3A_166 = arith.constant 0 : i32
        %dma_wait3A_167 = tpu.memref_slice %arg6[%mul3A_161, %dma_wait3A_166] : memref<10240x32xf32, #tpu.memory_space<hbm>> -> memref<640x32xf32, #tpu.memory_space<hbm>>
        %dma_wait3A_168 = arith.constant 0 : i32
        %dma_wait3A_169 = tpu.memref_slice %arg11[%mul3A_159, %dma_wait3A_168] : memref<10240x32xf32, #tpu.memory_space<vmem_shared>> -> memref<640x32xf32, #tpu.memory_space<vmem_shared>>
        tpu.wait_dma2 semaphore(%run_scoped3A : memref<!tpu.dma_semaphore, #tpu.memory_space<semaphore_mem>>) src(%dma_wait3A_169 : memref<640x32xf32, #tpu.memory_space<vmem_shared>>) dst(%dma_wait3A_167 : memref<640x32xf32, #tpu.memory_space<hbm>>)
        tpu.yield
      }) : () -> ()
    } else {
    }
    %eq3A_153 = arith.constant 1 : i32
    %eq3A_154 = arith.cmpi eq, %arg0, %eq3A_153 : i32
    %convert_element_type3A_155 = arith.extui %eq3A_154 : i1 to i32
    %cond3A_156 = arith.constant 0 : i32
    %cond3A_157 = arith.cmpi ne, %convert_element_type3A_155, %cond3A_156 : i32
    scf.if %cond3A_157 {
      %mul3A_158 = arith.constant 640 : i32
      %mul3A_159 = arith.muli %arg1, %mul3A_158 : i32
      %mul3A_160 = arith.constant 640 : i32
      %mul3A_161 = arith.muli %arg1, %mul3A_160 : i32
      "tpu.region"() ({
        %run_scoped3A = tpu.sem_alloc : memref<!tpu.dma_semaphore, #tpu.memory_space<semaphore_mem>>
        %dma_start3A_162 = arith.constant 0 : i32
        %dma_start3A_163 = tpu.memref_slice %arg7[%mul3A_161, %dma_start3A_162] : memref<10240x32xf32, #tpu.memory_space<hbm>> -> memref<640x32xf32, #tpu.memory_space<hbm>>
        %dma_start3A_164 = arith.constant 0 : i32
        %dma_start3A_165 = tpu.memref_slice %arg11[%mul3A_159, %dma_start3A_164] : memref<10240x32xf32, #tpu.memory_space<vmem_shared>> -> memref<640x32xf32, #tpu.memory_space<vmem_shared>>
        tpu.enqueue_dma source(%dma_start3A_165 : memref<640x32xf32, #tpu.memory_space<vmem_shared>>) target(%dma_start3A_163 : memref<640x32xf32, #tpu.memory_space<hbm>>) target_semaphore(%run_scoped3A : memref<!tpu.dma_semaphore, #tpu.memory_space<semaphore_mem>>)
        %dma_wait3A_166 = arith.constant 0 : i32
        %dma_wait3A_167 = tpu.memref_slice %arg7[%mul3A_161, %dma_wait3A_166] : memref<10240x32xf32, #tpu.memory_space<hbm>> -> memref<640x32xf32, #tpu.memory_space<hbm>>
        %dma_wait3A_168 = arith.constant 0 : i32
        %dma_wait3A_169 = tpu.memref_slice %arg11[%mul3A_159, %dma_wait3A_168] : memref<10240x32xf32, #tpu.memory_space<vmem_shared>> -> memref<640x32xf32, #tpu.memory_space<vmem_shared>>
        tpu.wait_dma2 semaphore(%run_scoped3A : memref<!tpu.dma_semaphore, #tpu.memory_space<semaphore_mem>>) src(%dma_wait3A_169 : memref<640x32xf32, #tpu.memory_space<vmem_shared>>) dst(%dma_wait3A_167 : memref<640x32xf32, #tpu.memory_space<hbm>>)
        tpu.yield
      }) : () -> ()
    } else {
    }
    return
  }
}

#map = affine_map<(d0, d1) -> (0, 0)>
#map1 = affine_map<(d0, d1) -> (0, 0, 0)>
module attributes {stable_mosaic.version = 14 : i64} {
  func.func @k(%arg0: i32, %arg1: i32, %arg2: memref<10000x16xf32, #tpu.memory_space<hbm>>, %arg3: memref<32x100x100xi32, #tpu.memory_space<hbm>>, %arg4: memref<32x100x100xi32, #tpu.memory_space<hbm>>, %arg5: memref<640x16xf32, #tpu.memory_space<hbm>>, %arg6: memref<10240x16xf32, #tpu.memory_space<hbm>>, %arg7: memref<10240x16xf32, #tpu.memory_space<hbm>>, %arg8: memref<100x100xi32, #tpu.memory_space<vmem>>, %arg9: memref<100x100xi32, #tpu.memory_space<vmem>>, %arg10: memref<8x100x16xf32, #tpu.memory_space<vmem>>, %arg11: memref<10240x16xf32, #tpu.memory_space<vmem_shared>>, %arg12: memref<10000x16xf32, #tpu.memory_space<vmem_shared>>, %arg13: memref<!tpu.dma_semaphore, #tpu.memory_space<semaphore_mem>>, %arg14: memref<!tpu.dma_semaphore, #tpu.memory_space<semaphore_mem>>, %arg15: memref<!tpu.dma_semaphore, #tpu.memory_space<semaphore_mem>>) attributes {dimension_semantics = [#tpu.dimension_semantics<core_parallel>, #tpu.dimension_semantics<subcore_parallel>], iteration_bounds = array<i64: 2, 16>, scalar_prefetch = 0 : i64, scratch_operands = 8 : i64, tpu.core_type = #tpu.core_type<sc_vector_subcore>, window_params = [{transform_indices = #map}, {transform_indices = #map1}, {transform_indices = #map1}, {transform_indices = #map}, {transform_indices = #map}, {transform_indices = #map}]} {
    %mul3A = arith.constant 2 : i32
    %mul3A_0 = arith.muli %arg1, %mul3A : i32
    %add3A = arith.addi %mul3A_0, %arg0 : i32
    %mul3A_1 = arith.constant 640 : i32
    %mul3A_2 = arith.muli %arg1, %mul3A_1 : i32
    %dma_start3A = arith.constant 0 : i32
    %dma_start3A_3 = tpu.memref_slice %arg11[%mul3A_2, %dma_start3A] : memref<10240x16xf32, #tpu.memory_space<vmem_shared>> -> memref<640x16xf32, #tpu.memory_space<vmem_shared>>
    tpu.enqueue_dma source(%arg5 : memref<640x16xf32, #tpu.memory_space<hbm>>) target(%dma_start3A_3 : memref<640x16xf32, #tpu.memory_space<vmem_shared>>) target_semaphore(%arg14 : memref<!tpu.dma_semaphore, #tpu.memory_space<semaphore_mem>>)
    %mul3A_4 = arith.constant 625 : i32
    %mul3A_5 = arith.muli %arg1, %mul3A_4 : i32
    %mul3A_6 = arith.constant 625 : i32
    %mul3A_7 = arith.muli %arg1, %mul3A_6 : i32
    %dma_start3A_8 = arith.constant 0 : i32
    %dma_start3A_9 = tpu.memref_slice %arg12[%mul3A_7, %dma_start3A_8] : memref<10000x16xf32, #tpu.memory_space<vmem_shared>> -> memref<625x16xf32, #tpu.memory_space<vmem_shared>>
    %dma_start3A_10 = arith.constant 0 : i32
    %dma_start3A_11 = tpu.memref_slice %arg2[%mul3A_5, %dma_start3A_10] : memref<10000x16xf32, #tpu.memory_space<hbm>> -> memref<625x16xf32, #tpu.memory_space<hbm>>
    tpu.enqueue_dma source(%dma_start3A_11 : memref<625x16xf32, #tpu.memory_space<hbm>>) target(%dma_start3A_9 : memref<625x16xf32, #tpu.memory_space<vmem_shared>>) target_semaphore(%arg14 : memref<!tpu.dma_semaphore, #tpu.memory_space<semaphore_mem>>)
    %dma_start3A_12 = arith.constant 0 : i32
    %dma_start3A_13 = arith.constant 0 : i32
    %dma_start3A_14 = tpu.memref_slice %arg3[%add3A, %dma_start3A_12, %dma_start3A_13] : memref<32x100x100xi32, #tpu.memory_space<hbm>> -> memref<1x100x100xi32, #tpu.memory_space<hbm>>
    %dma_start3A_15 = tpu.memref_squeeze %dma_start3A_14 : memref<1x100x100xi32, #tpu.memory_space<hbm>> -> memref<100x100xi32, #tpu.memory_space<hbm>>
    %dma_start3A_16 = arith.constant 0 : i32
    %dma_start3A_17 = arith.constant 0 : i32
    %dma_start3A_18 = tpu.memref_slice %arg3[%add3A, %dma_start3A_16, %dma_start3A_17] : memref<32x100x100xi32, #tpu.memory_space<hbm>> -> memref<1x100x100xi32, #tpu.memory_space<hbm>>
    %dma_start3A_19 = tpu.memref_squeeze %dma_start3A_18 : memref<1x100x100xi32, #tpu.memory_space<hbm>> -> memref<100x100xi32, #tpu.memory_space<hbm>>
    tpu.enqueue_dma source(%dma_start3A_19 : memref<100x100xi32, #tpu.memory_space<hbm>>) target(%arg8 : memref<100x100xi32, #tpu.memory_space<vmem>>) target_semaphore(%arg14 : memref<!tpu.dma_semaphore, #tpu.memory_space<semaphore_mem>>)
    %dma_start3A_20 = arith.constant 0 : i32
    %dma_start3A_21 = arith.constant 0 : i32
    %dma_start3A_22 = tpu.memref_slice %arg4[%add3A, %dma_start3A_20, %dma_start3A_21] : memref<32x100x100xi32, #tpu.memory_space<hbm>> -> memref<1x100x100xi32, #tpu.memory_space<hbm>>
    %dma_start3A_23 = tpu.memref_squeeze %dma_start3A_22 : memref<1x100x100xi32, #tpu.memory_space<hbm>> -> memref<100x100xi32, #tpu.memory_space<hbm>>
    %dma_start3A_24 = arith.constant 0 : i32
    %dma_start3A_25 = arith.constant 0 : i32
    %dma_start3A_26 = tpu.memref_slice %arg4[%add3A, %dma_start3A_24, %dma_start3A_25] : memref<32x100x100xi32, #tpu.memory_space<hbm>> -> memref<1x100x100xi32, #tpu.memory_space<hbm>>
    %dma_start3A_27 = tpu.memref_squeeze %dma_start3A_26 : memref<1x100x100xi32, #tpu.memory_space<hbm>> -> memref<100x100xi32, #tpu.memory_space<hbm>>
    tpu.enqueue_dma source(%dma_start3A_27 : memref<100x100xi32, #tpu.memory_space<hbm>>) target(%arg9 : memref<100x100xi32, #tpu.memory_space<vmem>>) target_semaphore(%arg14 : memref<!tpu.dma_semaphore, #tpu.memory_space<semaphore_mem>>)
    %dma_wait3A = arith.constant 0 : i32
    %dma_wait3A_28 = tpu.memref_slice %arg11[%mul3A_2, %dma_wait3A] : memref<10240x16xf32, #tpu.memory_space<vmem_shared>> -> memref<640x16xf32, #tpu.memory_space<vmem_shared>>
    tpu.wait_dma2 semaphore(%arg14 : memref<!tpu.dma_semaphore, #tpu.memory_space<semaphore_mem>>) src(%arg5 : memref<640x16xf32, #tpu.memory_space<hbm>>) dst(%dma_wait3A_28 : memref<640x16xf32, #tpu.memory_space<vmem_shared>>)
    %dma_wait3A_29 = arith.constant 0 : i32
    %dma_wait3A_30 = tpu.memref_slice %arg12[%mul3A_7, %dma_wait3A_29] : memref<10000x16xf32, #tpu.memory_space<vmem_shared>> -> memref<625x16xf32, #tpu.memory_space<vmem_shared>>
    %dma_wait3A_31 = arith.constant 0 : i32
    %dma_wait3A_32 = tpu.memref_slice %arg2[%mul3A_5, %dma_wait3A_31] : memref<10000x16xf32, #tpu.memory_space<hbm>> -> memref<625x16xf32, #tpu.memory_space<hbm>>
    tpu.wait_dma2 semaphore(%arg14 : memref<!tpu.dma_semaphore, #tpu.memory_space<semaphore_mem>>) src(%dma_wait3A_32 : memref<625x16xf32, #tpu.memory_space<hbm>>) dst(%dma_wait3A_30 : memref<625x16xf32, #tpu.memory_space<vmem_shared>>)
    %dma_wait3A_33 = arith.constant 0 : i32
    %dma_wait3A_34 = arith.constant 0 : i32
    %dma_wait3A_35 = tpu.memref_slice %arg3[%add3A, %dma_wait3A_33, %dma_wait3A_34] : memref<32x100x100xi32, #tpu.memory_space<hbm>> -> memref<1x100x100xi32, #tpu.memory_space<hbm>>
    %dma_wait3A_36 = tpu.memref_squeeze %dma_wait3A_35 : memref<1x100x100xi32, #tpu.memory_space<hbm>> -> memref<100x100xi32, #tpu.memory_space<hbm>>
    %dma_wait3A_37 = arith.constant 0 : i32
    %dma_wait3A_38 = arith.constant 0 : i32
    %dma_wait3A_39 = tpu.memref_slice %arg3[%add3A, %dma_wait3A_37, %dma_wait3A_38] : memref<32x100x100xi32, #tpu.memory_space<hbm>> -> memref<1x100x100xi32, #tpu.memory_space<hbm>>
    %dma_wait3A_40 = tpu.memref_squeeze %dma_wait3A_39 : memref<1x100x100xi32, #tpu.memory_space<hbm>> -> memref<100x100xi32, #tpu.memory_space<hbm>>
    tpu.wait_dma2 semaphore(%arg14 : memref<!tpu.dma_semaphore, #tpu.memory_space<semaphore_mem>>) src(%dma_wait3A_40 : memref<100x100xi32, #tpu.memory_space<hbm>>) dst(%arg8 : memref<100x100xi32, #tpu.memory_space<vmem>>)
    %dma_wait3A_41 = arith.constant 0 : i32
    %dma_wait3A_42 = arith.constant 0 : i32
    %dma_wait3A_43 = tpu.memref_slice %arg4[%add3A, %dma_wait3A_41, %dma_wait3A_42] : memref<32x100x100xi32, #tpu.memory_space<hbm>> -> memref<1x100x100xi32, #tpu.memory_space<hbm>>
    %dma_wait3A_44 = tpu.memref_squeeze %dma_wait3A_43 : memref<1x100x100xi32, #tpu.memory_space<hbm>> -> memref<100x100xi32, #tpu.memory_space<hbm>>
    %dma_wait3A_45 = arith.constant 0 : i32
    %dma_wait3A_46 = arith.constant 0 : i32
    %dma_wait3A_47 = tpu.memref_slice %arg4[%add3A, %dma_wait3A_45, %dma_wait3A_46] : memref<32x100x100xi32, #tpu.memory_space<hbm>> -> memref<1x100x100xi32, #tpu.memory_space<hbm>>
    %dma_wait3A_48 = tpu.memref_squeeze %dma_wait3A_47 : memref<1x100x100xi32, #tpu.memory_space<hbm>> -> memref<100x100xi32, #tpu.memory_space<hbm>>
    tpu.wait_dma2 semaphore(%arg14 : memref<!tpu.dma_semaphore, #tpu.memory_space<semaphore_mem>>) src(%dma_wait3A_48 : memref<100x100xi32, #tpu.memory_space<hbm>>) dst(%arg9 : memref<100x100xi32, #tpu.memory_space<vmem>>)
    %barrier3A = arith.constant 0 : index
    tpu.barrier barrier_id(%barrier3A)
    %dma_start3A_49 = arith.constant 0 : i32
    %dma_start3A_50 = arith.constant 0 : i32
    %dma_start3A_51 = arith.constant 0 : i32
    %dma_start3A_52 = arith.constant 0 : i32
    %dma_start3A_53 = tpu.memref_slice %arg10[%dma_start3A_50, %dma_start3A_51, %dma_start3A_52] : memref<8x100x16xf32, #tpu.memory_space<vmem>> -> memref<1x100x16xf32, #tpu.memory_space<vmem>>
    %dma_start3A_54 = tpu.memref_squeeze %dma_start3A_53 : memref<1x100x16xf32, #tpu.memory_space<vmem>> -> memref<100x16xf32, #tpu.memory_space<vmem>>
    %dma_start3A_55 = arith.constant 0 : i32
    %dma_start3A_56 = tpu.memref_slice %arg8[%dma_start3A_49, %dma_start3A_55] : memref<100x100xi32, #tpu.memory_space<vmem>> -> memref<1x100xi32, #tpu.memory_space<vmem>>
    %dma_start3A_57 = tpu.memref_squeeze %dma_start3A_56 : memref<1x100xi32, #tpu.memory_space<vmem>> -> memref<100xi32, #tpu.memory_space<vmem>>
    %dma_start3A_58 = arith.constant 0 : i32
    %dma_start3A_59 = arith.constant 0 : i32
    %dma_start3A_60 = tpu.memref_slice %arg12[%dma_start3A_58, %dma_start3A_59] : memref<10000x16xf32, #tpu.memory_space<vmem_shared>> -> memref<10000x16xf32, #tpu.memory_space<vmem_shared>>
    tpu.enqueue_indirect_dma source(%dma_start3A_60 : memref<10000x16xf32, #tpu.memory_space<vmem_shared>>) target(%dma_start3A_54 : memref<100x16xf32, #tpu.memory_space<vmem>>) offsets(%dma_start3A_57 : memref<100xi32, #tpu.memory_space<vmem>>) semaphore(%arg13 : memref<!tpu.dma_semaphore, #tpu.memory_space<semaphore_mem>>)
    %dma_start3A_61 = arith.constant 1 : i32
    %dma_start3A_62 = arith.constant 1 : i32
    %dma_start3A_63 = arith.constant 0 : i32
    %dma_start3A_64 = arith.constant 0 : i32
    %dma_start3A_65 = tpu.memref_slice %arg10[%dma_start3A_62, %dma_start3A_63, %dma_start3A_64] : memref<8x100x16xf32, #tpu.memory_space<vmem>> -> memref<1x100x16xf32, #tpu.memory_space<vmem>>
    %dma_start3A_66 = tpu.memref_squeeze %dma_start3A_65 : memref<1x100x16xf32, #tpu.memory_space<vmem>> -> memref<100x16xf32, #tpu.memory_space<vmem>>
    %dma_start3A_67 = arith.constant 0 : i32
    %dma_start3A_68 = tpu.memref_slice %arg8[%dma_start3A_61, %dma_start3A_67] : memref<100x100xi32, #tpu.memory_space<vmem>> -> memref<1x100xi32, #tpu.memory_space<vmem>>
    %dma_start3A_69 = tpu.memref_squeeze %dma_start3A_68 : memref<1x100xi32, #tpu.memory_space<vmem>> -> memref<100xi32, #tpu.memory_space<vmem>>
    %dma_start3A_70 = arith.constant 0 : i32
    %dma_start3A_71 = arith.constant 0 : i32
    %dma_start3A_72 = tpu.memref_slice %arg12[%dma_start3A_70, %dma_start3A_71] : memref<10000x16xf32, #tpu.memory_space<vmem_shared>> -> memref<10000x16xf32, #tpu.memory_space<vmem_shared>>
    tpu.enqueue_indirect_dma source(%dma_start3A_72 : memref<10000x16xf32, #tpu.memory_space<vmem_shared>>) target(%dma_start3A_66 : memref<100x16xf32, #tpu.memory_space<vmem>>) offsets(%dma_start3A_69 : memref<100xi32, #tpu.memory_space<vmem>>) semaphore(%arg13 : memref<!tpu.dma_semaphore, #tpu.memory_space<semaphore_mem>>)
    %dma_start3A_73 = arith.constant 2 : i32
    %dma_start3A_74 = arith.constant 2 : i32
    %dma_start3A_75 = arith.constant 0 : i32
    %dma_start3A_76 = arith.constant 0 : i32
    %dma_start3A_77 = tpu.memref_slice %arg10[%dma_start3A_74, %dma_start3A_75, %dma_start3A_76] : memref<8x100x16xf32, #tpu.memory_space<vmem>> -> memref<1x100x16xf32, #tpu.memory_space<vmem>>
    %dma_start3A_78 = tpu.memref_squeeze %dma_start3A_77 : memref<1x100x16xf32, #tpu.memory_space<vmem>> -> memref<100x16xf32, #tpu.memory_space<vmem>>
    %dma_start3A_79 = arith.constant 0 : i32
    %dma_start3A_80 = tpu.memref_slice %arg8[%dma_start3A_73, %dma_start3A_79] : memref<100x100xi32, #tpu.memory_space<vmem>> -> memref<1x100xi32, #tpu.memory_space<vmem>>
    %dma_start3A_81 = tpu.memref_squeeze %dma_start3A_80 : memref<1x100xi32, #tpu.memory_space<vmem>> -> memref<100xi32, #tpu.memory_space<vmem>>
    %dma_start3A_82 = arith.constant 0 : i32
    %dma_start3A_83 = arith.constant 0 : i32
    %dma_start3A_84 = tpu.memref_slice %arg12[%dma_start3A_82, %dma_start3A_83] : memref<10000x16xf32, #tpu.memory_space<vmem_shared>> -> memref<10000x16xf32, #tpu.memory_space<vmem_shared>>
    tpu.enqueue_indirect_dma source(%dma_start3A_84 : memref<10000x16xf32, #tpu.memory_space<vmem_shared>>) target(%dma_start3A_78 : memref<100x16xf32, #tpu.memory_space<vmem>>) offsets(%dma_start3A_81 : memref<100xi32, #tpu.memory_space<vmem>>) semaphore(%arg13 : memref<!tpu.dma_semaphore, #tpu.memory_space<semaphore_mem>>)
    %dma_start3A_85 = arith.constant 3 : i32
    %dma_start3A_86 = arith.constant 3 : i32
    %dma_start3A_87 = arith.constant 0 : i32
    %dma_start3A_88 = arith.constant 0 : i32
    %dma_start3A_89 = tpu.memref_slice %arg10[%dma_start3A_86, %dma_start3A_87, %dma_start3A_88] : memref<8x100x16xf32, #tpu.memory_space<vmem>> -> memref<1x100x16xf32, #tpu.memory_space<vmem>>
    %dma_start3A_90 = tpu.memref_squeeze %dma_start3A_89 : memref<1x100x16xf32, #tpu.memory_space<vmem>> -> memref<100x16xf32, #tpu.memory_space<vmem>>
    %dma_start3A_91 = arith.constant 0 : i32
    %dma_start3A_92 = tpu.memref_slice %arg8[%dma_start3A_85, %dma_start3A_91] : memref<100x100xi32, #tpu.memory_space<vmem>> -> memref<1x100xi32, #tpu.memory_space<vmem>>
    %dma_start3A_93 = tpu.memref_squeeze %dma_start3A_92 : memref<1x100xi32, #tpu.memory_space<vmem>> -> memref<100xi32, #tpu.memory_space<vmem>>
    %dma_start3A_94 = arith.constant 0 : i32
    %dma_start3A_95 = arith.constant 0 : i32
    %dma_start3A_96 = tpu.memref_slice %arg12[%dma_start3A_94, %dma_start3A_95] : memref<10000x16xf32, #tpu.memory_space<vmem_shared>> -> memref<10000x16xf32, #tpu.memory_space<vmem_shared>>
    tpu.enqueue_indirect_dma source(%dma_start3A_96 : memref<10000x16xf32, #tpu.memory_space<vmem_shared>>) target(%dma_start3A_90 : memref<100x16xf32, #tpu.memory_space<vmem>>) offsets(%dma_start3A_93 : memref<100xi32, #tpu.memory_space<vmem>>) semaphore(%arg13 : memref<!tpu.dma_semaphore, #tpu.memory_space<semaphore_mem>>)
    %scan3A = arith.constant 0 : i32
    %scan3A_97 = arith.constant 0 : i32
    %scan3A_98 = arith.constant 100 : i32
    %scan3A_99 = arith.addi %scan3A_97, %scan3A_98 : i32
    %scan3A_100 = arith.constant 1 : i32
    scf.for %scan3A_158 = %scan3A_97 to %scan3A_99 step %scan3A_100  : i32 {
      %ge3A = arith.constant 4 : i32
      %ge3A_159 = arith.cmpi sge, %scan3A_158, %ge3A : i32
      %convert_element_type3A_160 = arith.extui %ge3A_159 : i1 to i32
      %cond3A_161 = arith.constant 0 : i32
      %cond3A_162 = arith.cmpi ne, %convert_element_type3A_160, %cond3A_161 : i32
      scf.if %cond3A_162 {
        %rem3A_190 = arith.constant 8 : i32
        %rem3A_191 = arith.remsi %scan3A_158, %rem3A_190 : i32
        %sub3A = arith.constant 4 : i32
        %sub3A_192 = arith.subi %scan3A_158, %sub3A : i32
        %dma_wait3A_193 = arith.constant 0 : i32
        %dma_wait3A_194 = arith.constant 0 : i32
        %dma_wait3A_195 = tpu.memref_slice %arg10[%rem3A_191, %dma_wait3A_193, %dma_wait3A_194] : memref<8x100x16xf32, #tpu.memory_space<vmem>> -> memref<1x100x16xf32, #tpu.memory_space<vmem>>
        %dma_wait3A_196 = tpu.memref_squeeze %dma_wait3A_195 : memref<1x100x16xf32, #tpu.memory_space<vmem>> -> memref<100x16xf32, #tpu.memory_space<vmem>>
        %dma_wait3A_197 = arith.constant 0 : i32
        %dma_wait3A_198 = tpu.memref_slice %arg9[%sub3A_192, %dma_wait3A_197] : memref<100x100xi32, #tpu.memory_space<vmem>> -> memref<1x100xi32, #tpu.memory_space<vmem>>
        %dma_wait3A_199 = tpu.memref_squeeze %dma_wait3A_198 : memref<1x100xi32, #tpu.memory_space<vmem>> -> memref<100xi32, #tpu.memory_space<vmem>>
        %dma_wait3A_200 = arith.constant 0 : i32
        %dma_wait3A_201 = arith.constant 0 : i32
        %dma_wait3A_202 = tpu.memref_slice %arg11[%dma_wait3A_200, %dma_wait3A_201] : memref<10240x16xf32, #tpu.memory_space<vmem_shared>> -> memref<10240x16xf32, #tpu.memory_space<vmem_shared>>
        tpu.wait_indirect_dma semaphore(%arg15 : memref<!tpu.dma_semaphore, #tpu.memory_space<semaphore_mem>>) src(%dma_wait3A_196 : memref<100x16xf32, #tpu.memory_space<vmem>>) dst(%dma_wait3A_202 : memref<10240x16xf32, #tpu.memory_space<vmem_shared>>)
      } else {
      }
      %add3A_163 = arith.constant 4 : i32
      %add3A_164 = arith.addi %scan3A_158, %add3A_163 : i32
      %lt3A = arith.constant 100 : i32
      %lt3A_165 = arith.cmpi slt, %add3A_164, %lt3A : i32
      %convert_element_type3A_166 = arith.extui %lt3A_165 : i1 to i32
      %cond3A_167 = arith.constant 0 : i32
      %cond3A_168 = arith.cmpi ne, %convert_element_type3A_166, %cond3A_167 : i32
      scf.if %cond3A_168 {
        %add3A_190 = arith.constant 4 : i32
        %add3A_191 = arith.addi %scan3A_158, %add3A_190 : i32
        %rem3A_192 = arith.constant 8 : i32
        %rem3A_193 = arith.remsi %add3A_191, %rem3A_192 : i32
        %dma_start3A_194 = arith.constant 0 : i32
        %dma_start3A_195 = arith.constant 0 : i32
        %dma_start3A_196 = tpu.memref_slice %arg10[%rem3A_193, %dma_start3A_194, %dma_start3A_195] : memref<8x100x16xf32, #tpu.memory_space<vmem>> -> memref<1x100x16xf32, #tpu.memory_space<vmem>>
        %dma_start3A_197 = tpu.memref_squeeze %dma_start3A_196 : memref<1x100x16xf32, #tpu.memory_space<vmem>> -> memref<100x16xf32, #tpu.memory_space<vmem>>
        %dma_start3A_198 = arith.constant 0 : i32
        %dma_start3A_199 = tpu.memref_slice %arg8[%add3A_191, %dma_start3A_198] : memref<100x100xi32, #tpu.memory_space<vmem>> -> memref<1x100xi32, #tpu.memory_space<vmem>>
        %dma_start3A_200 = tpu.memref_squeeze %dma_start3A_199 : memref<1x100xi32, #tpu.memory_space<vmem>> -> memref<100xi32, #tpu.memory_space<vmem>>
        %dma_start3A_201 = arith.constant 0 : i32
        %dma_start3A_202 = arith.constant 0 : i32
        %dma_start3A_203 = tpu.memref_slice %arg12[%dma_start3A_201, %dma_start3A_202] : memref<10000x16xf32, #tpu.memory_space<vmem_shared>> -> memref<10000x16xf32, #tpu.memory_space<vmem_shared>>
        tpu.enqueue_indirect_dma source(%dma_start3A_203 : memref<10000x16xf32, #tpu.memory_space<vmem_shared>>) target(%dma_start3A_197 : memref<100x16xf32, #tpu.memory_space<vmem>>) offsets(%dma_start3A_200 : memref<100xi32, #tpu.memory_space<vmem>>) semaphore(%arg13 : memref<!tpu.dma_semaphore, #tpu.memory_space<semaphore_mem>>)
      } else {
      }
      %rem3A = arith.constant 8 : i32
      %rem3A_169 = arith.remsi %scan3A_158, %rem3A : i32
      %dma_wait3A_170 = arith.constant 0 : i32
      %dma_wait3A_171 = arith.constant 0 : i32
      %dma_wait3A_172 = tpu.memref_slice %arg10[%rem3A_169, %dma_wait3A_170, %dma_wait3A_171] : memref<8x100x16xf32, #tpu.memory_space<vmem>> -> memref<1x100x16xf32, #tpu.memory_space<vmem>>
      %dma_wait3A_173 = tpu.memref_squeeze %dma_wait3A_172 : memref<1x100x16xf32, #tpu.memory_space<vmem>> -> memref<100x16xf32, #tpu.memory_space<vmem>>
      %dma_wait3A_174 = arith.constant 0 : i32
      %dma_wait3A_175 = tpu.memref_slice %arg8[%scan3A_158, %dma_wait3A_174] : memref<100x100xi32, #tpu.memory_space<vmem>> -> memref<1x100xi32, #tpu.memory_space<vmem>>
      %dma_wait3A_176 = tpu.memref_squeeze %dma_wait3A_175 : memref<1x100xi32, #tpu.memory_space<vmem>> -> memref<100xi32, #tpu.memory_space<vmem>>
      %dma_wait3A_177 = arith.constant 0 : i32
      %dma_wait3A_178 = arith.constant 0 : i32
      %dma_wait3A_179 = tpu.memref_slice %arg12[%dma_wait3A_177, %dma_wait3A_178] : memref<10000x16xf32, #tpu.memory_space<vmem_shared>> -> memref<10000x16xf32, #tpu.memory_space<vmem_shared>>
      tpu.wait_indirect_dma semaphore(%arg13 : memref<!tpu.dma_semaphore, #tpu.memory_space<semaphore_mem>>) src(%dma_wait3A_179 : memref<10000x16xf32, #tpu.memory_space<vmem_shared>>) dst(%dma_wait3A_173 : memref<100x16xf32, #tpu.memory_space<vmem>>)
      %dma_start3A_180 = arith.constant 0 : i32
      %dma_start3A_181 = arith.constant 0 : i32
      %dma_start3A_182 = tpu.memref_slice %arg10[%rem3A_169, %dma_start3A_180, %dma_start3A_181] : memref<8x100x16xf32, #tpu.memory_space<vmem>> -> memref<1x100x16xf32, #tpu.memory_space<vmem>>
      %dma_start3A_183 = tpu.memref_squeeze %dma_start3A_182 : memref<1x100x16xf32, #tpu.memory_space<vmem>> -> memref<100x16xf32, #tpu.memory_space<vmem>>
      %dma_start3A_184 = arith.constant 0 : i32
      %dma_start3A_185 = tpu.memref_slice %arg9[%scan3A_158, %dma_start3A_184] : memref<100x100xi32, #tpu.memory_space<vmem>> -> memref<1x100xi32, #tpu.memory_space<vmem>>
      %dma_start3A_186 = tpu.memref_squeeze %dma_start3A_185 : memref<1x100xi32, #tpu.memory_space<vmem>> -> memref<100xi32, #tpu.memory_space<vmem>>
      %dma_start3A_187 = arith.constant 0 : i32
      %dma_start3A_188 = arith.constant 0 : i32
      %dma_start3A_189 = tpu.memref_slice %arg11[%dma_start3A_187, %dma_start3A_188] : memref<10240x16xf32, #tpu.memory_space<vmem_shared>> -> memref<10240x16xf32, #tpu.memory_space<vmem_shared>>
      tpu.enqueue_indirect_dma source(%dma_start3A_183 : memref<100x16xf32, #tpu.memory_space<vmem>>) target(%dma_start3A_189 : memref<10240x16xf32, #tpu.memory_space<vmem_shared>>) offsets(%dma_start3A_186 : memref<100xi32, #tpu.memory_space<vmem>>) semaphore(%arg15 : memref<!tpu.dma_semaphore, #tpu.memory_space<semaphore_mem>>) {add = true}
    }
    %scan3A_101 = arith.constant 100 : i32
    %dma_wait3A_102 = arith.constant 0 : i32
    %dma_wait3A_103 = arith.constant 0 : i32
    %dma_wait3A_104 = arith.constant 0 : i32
    %dma_wait3A_105 = arith.constant 0 : i32
    %dma_wait3A_106 = tpu.memref_slice %arg10[%dma_wait3A_102, %dma_wait3A_104, %dma_wait3A_105] : memref<8x100x16xf32, #tpu.memory_space<vmem>> -> memref<1x100x16xf32, #tpu.memory_space<vmem>>
    %dma_wait3A_107 = tpu.memref_squeeze %dma_wait3A_106 : memref<1x100x16xf32, #tpu.memory_space<vmem>> -> memref<100x16xf32, #tpu.memory_space<vmem>>
    %dma_wait3A_108 = arith.constant 0 : i32
    %dma_wait3A_109 = tpu.memref_slice %arg9[%dma_wait3A_103, %dma_wait3A_108] : memref<100x100xi32, #tpu.memory_space<vmem>> -> memref<1x100xi32, #tpu.memory_space<vmem>>
    %dma_wait3A_110 = tpu.memref_squeeze %dma_wait3A_109 : memref<1x100xi32, #tpu.memory_space<vmem>> -> memref<100xi32, #tpu.memory_space<vmem>>
    %dma_wait3A_111 = arith.constant 0 : i32
    %dma_wait3A_112 = arith.constant 0 : i32
    %dma_wait3A_113 = tpu.memref_slice %arg11[%dma_wait3A_111, %dma_wait3A_112] : memref<10240x16xf32, #tpu.memory_space<vmem_shared>> -> memref<10240x16xf32, #tpu.memory_space<vmem_shared>>
    tpu.wait_indirect_dma semaphore(%arg15 : memref<!tpu.dma_semaphore, #tpu.memory_space<semaphore_mem>>) src(%dma_wait3A_107 : memref<100x16xf32, #tpu.memory_space<vmem>>) dst(%dma_wait3A_113 : memref<10240x16xf32, #tpu.memory_space<vmem_shared>>)
    %dma_wait3A_114 = arith.constant 1 : i32
    %dma_wait3A_115 = arith.constant 0 : i32
    %dma_wait3A_116 = arith.constant 0 : i32
    %dma_wait3A_117 = arith.constant 0 : i32
    %dma_wait3A_118 = tpu.memref_slice %arg10[%dma_wait3A_114, %dma_wait3A_116, %dma_wait3A_117] : memref<8x100x16xf32, #tpu.memory_space<vmem>> -> memref<1x100x16xf32, #tpu.memory_space<vmem>>
    %dma_wait3A_119 = tpu.memref_squeeze %dma_wait3A_118 : memref<1x100x16xf32, #tpu.memory_space<vmem>> -> memref<100x16xf32, #tpu.memory_space<vmem>>
    %dma_wait3A_120 = arith.constant 0 : i32
    %dma_wait3A_121 = tpu.memref_slice %arg9[%dma_wait3A_115, %dma_wait3A_120] : memref<100x100xi32, #tpu.memory_space<vmem>> -> memref<1x100xi32, #tpu.memory_space<vmem>>
    %dma_wait3A_122 = tpu.memref_squeeze %dma_wait3A_121 : memref<1x100xi32, #tpu.memory_space<vmem>> -> memref<100xi32, #tpu.memory_space<vmem>>
    %dma_wait3A_123 = arith.constant 0 : i32
    %dma_wait3A_124 = arith.constant 0 : i32
    %dma_wait3A_125 = tpu.memref_slice %arg11[%dma_wait3A_123, %dma_wait3A_124] : memref<10240x16xf32, #tpu.memory_space<vmem_shared>> -> memref<10240x16xf32, #tpu.memory_space<vmem_shared>>
    tpu.wait_indirect_dma semaphore(%arg15 : memref<!tpu.dma_semaphore, #tpu.memory_space<semaphore_mem>>) src(%dma_wait3A_119 : memref<100x16xf32, #tpu.memory_space<vmem>>) dst(%dma_wait3A_125 : memref<10240x16xf32, #tpu.memory_space<vmem_shared>>)
    %dma_wait3A_126 = arith.constant 2 : i32
    %dma_wait3A_127 = arith.constant 0 : i32
    %dma_wait3A_128 = arith.constant 0 : i32
    %dma_wait3A_129 = arith.constant 0 : i32
    %dma_wait3A_130 = tpu.memref_slice %arg10[%dma_wait3A_126, %dma_wait3A_128, %dma_wait3A_129] : memref<8x100x16xf32, #tpu.memory_space<vmem>> -> memref<1x100x16xf32, #tpu.memory_space<vmem>>
    %dma_wait3A_131 = tpu.memref_squeeze %dma_wait3A_130 : memref<1x100x16xf32, #tpu.memory_space<vmem>> -> memref<100x16xf32, #tpu.memory_space<vmem>>
    %dma_wait3A_132 = arith.constant 0 : i32
    %dma_wait3A_133 = tpu.memref_slice %arg9[%dma_wait3A_127, %dma_wait3A_132] : memref<100x100xi32, #tpu.memory_space<vmem>> -> memref<1x100xi32, #tpu.memory_space<vmem>>
    %dma_wait3A_134 = tpu.memref_squeeze %dma_wait3A_133 : memref<1x100xi32, #tpu.memory_space<vmem>> -> memref<100xi32, #tpu.memory_space<vmem>>
    %dma_wait3A_135 = arith.constant 0 : i32
    %dma_wait3A_136 = arith.constant 0 : i32
    %dma_wait3A_137 = tpu.memref_slice %arg11[%dma_wait3A_135, %dma_wait3A_136] : memref<10240x16xf32, #tpu.memory_space<vmem_shared>> -> memref<10240x16xf32, #tpu.memory_space<vmem_shared>>
    tpu.wait_indirect_dma semaphore(%arg15 : memref<!tpu.dma_semaphore, #tpu.memory_space<semaphore_mem>>) src(%dma_wait3A_131 : memref<100x16xf32, #tpu.memory_space<vmem>>) dst(%dma_wait3A_137 : memref<10240x16xf32, #tpu.memory_space<vmem_shared>>)
    %dma_wait3A_138 = arith.constant 3 : i32
    %dma_wait3A_139 = arith.constant 0 : i32
    %dma_wait3A_140 = arith.constant 0 : i32
    %dma_wait3A_141 = arith.constant 0 : i32
    %dma_wait3A_142 = tpu.memref_slice %arg10[%dma_wait3A_138, %dma_wait3A_140, %dma_wait3A_141] : memref<8x100x16xf32, #tpu.memory_space<vmem>> -> memref<1x100x16xf32, #tpu.memory_space<vmem>>
    %dma_wait3A_143 = tpu.memref_squeeze %dma_wait3A_142 : memref<1x100x16xf32, #tpu.memory_space<vmem>> -> memref<100x16xf32, #tpu.memory_space<vmem>>
    %dma_wait3A_144 = arith.constant 0 : i32
    %dma_wait3A_145 = tpu.memref_slice %arg9[%dma_wait3A_139, %dma_wait3A_144] : memref<100x100xi32, #tpu.memory_space<vmem>> -> memref<1x100xi32, #tpu.memory_space<vmem>>
    %dma_wait3A_146 = tpu.memref_squeeze %dma_wait3A_145 : memref<1x100xi32, #tpu.memory_space<vmem>> -> memref<100xi32, #tpu.memory_space<vmem>>
    %dma_wait3A_147 = arith.constant 0 : i32
    %dma_wait3A_148 = arith.constant 0 : i32
    %dma_wait3A_149 = tpu.memref_slice %arg11[%dma_wait3A_147, %dma_wait3A_148] : memref<10240x16xf32, #tpu.memory_space<vmem_shared>> -> memref<10240x16xf32, #tpu.memory_space<vmem_shared>>
    tpu.wait_indirect_dma semaphore(%arg15 : memref<!tpu.dma_semaphore, #tpu.memory_space<semaphore_mem>>) src(%dma_wait3A_143 : memref<100x16xf32, #tpu.memory_space<vmem>>) dst(%dma_wait3A_149 : memref<10240x16xf32, #tpu.memory_space<vmem_shared>>)
    %barrier3A_150 = arith.constant 0 : index
    tpu.barrier barrier_id(%barrier3A_150)
    %eq3A = arith.constant 0 : i32
    %eq3A_151 = arith.cmpi eq, %arg0, %eq3A : i32
    %convert_element_type3A = arith.extui %eq3A_151 : i1 to i32
    %cond3A = arith.constant 0 : i32
    %cond3A_152 = arith.cmpi ne, %convert_element_type3A, %cond3A : i32
    scf.if %cond3A_152 {
      %mul3A_158 = arith.constant 640 : i32
      %mul3A_159 = arith.muli %arg1, %mul3A_158 : i32
      %mul3A_160 = arith.constant 640 : i32
      %mul3A_161 = arith.muli %arg1, %mul3A_160 : i32
      "tpu.region"() ({
        %run_scoped3A = tpu.sem_alloc : memref<!tpu.dma_semaphore, #tpu.memory_space<semaphore_mem>>
        %dma_start3A_162 = arith.constant 0 : i32
        %dma_start3A_163 = tpu.memref_slice %arg6[%mul3A_161, %dma_start3A_162] : memref<10240x16xf32, #tpu.memory_space<hbm>> -> memref<640x16xf32, #tpu.memory_space<hbm>>
        %dma_start3A_164 = arith.constant 0 : i32
        %dma_start3A_165 = tpu.memref_slice %arg11[%mul3A_159, %dma_start3A_164] : memref<10240x16xf32, #tpu.memory_space<vmem_shared>> -> memref<640x16xf32, #tpu.memory_space<vmem_shared>>
        tpu.enqueue_dma source(%dma_start3A_165 : memref<640x16xf32, #tpu.memory_space<vmem_shared>>) target(%dma_start3A_163 : memref<640x16xf32, #tpu.memory_space<hbm>>) target_semaphore(%run_scoped3A : memref<!tpu.dma_semaphore, #tpu.memory_space<semaphore_mem>>)
        %dma_wait3A_166 = arith.constant 0 : i32
        %dma_wait3A_167 = tpu.memref_slice %arg6[%mul3A_161, %dma_wait3A_166] : memref<10240x16xf32, #tpu.memory_space<hbm>> -> memref<640x16xf32, #tpu.memory_space<hbm>>
        %dma_wait3A_168 = arith.constant 0 : i32
        %dma_wait3A_169 = tpu.memref_slice %arg11[%mul3A_159, %dma_wait3A_168] : memref<10240x16xf32, #tpu.memory_space<vmem_shared>> -> memref<640x16xf32, #tpu.memory_space<vmem_shared>>
        tpu.wait_dma2 semaphore(%run_scoped3A : memref<!tpu.dma_semaphore, #tpu.memory_space<semaphore_mem>>) src(%dma_wait3A_169 : memref<640x16xf32, #tpu.memory_space<vmem_shared>>) dst(%dma_wait3A_167 : memref<640x16xf32, #tpu.memory_space<hbm>>)
        tpu.yield
      }) : () -> ()
    } else {
    }
    %eq3A_153 = arith.constant 1 : i32
    %eq3A_154 = arith.cmpi eq, %arg0, %eq3A_153 : i32
    %convert_element_type3A_155 = arith.extui %eq3A_154 : i1 to i32
    %cond3A_156 = arith.constant 0 : i32
    %cond3A_157 = arith.cmpi ne, %convert_element_type3A_155, %cond3A_156 : i32
    scf.if %cond3A_157 {
      %mul3A_158 = arith.constant 640 : i32
      %mul3A_159 = arith.muli %arg1, %mul3A_158 : i32
      %mul3A_160 = arith.constant 640 : i32
      %mul3A_161 = arith.muli %arg1, %mul3A_160 : i32
      "tpu.region"() ({
        %run_scoped3A = tpu.sem_alloc : memref<!tpu.dma_semaphore, #tpu.memory_space<semaphore_mem>>
        %dma_start3A_162 = arith.constant 0 : i32
        %dma_start3A_163 = tpu.memref_slice %arg7[%mul3A_161, %dma_start3A_162] : memref<10240x16xf32, #tpu.memory_space<hbm>> -> memref<640x16xf32, #tpu.memory_space<hbm>>
        %dma_start3A_164 = arith.constant 0 : i32
        %dma_start3A_165 = tpu.memref_slice %arg11[%mul3A_159, %dma_start3A_164] : memref<10240x16xf32, #tpu.memory_space<vmem_shared>> -> memref<640x16xf32, #tpu.memory_space<vmem_shared>>
        tpu.enqueue_dma source(%dma_start3A_165 : memref<640x16xf32, #tpu.memory_space<vmem_shared>>) target(%dma_start3A_163 : memref<640x16xf32, #tpu.memory_space<hbm>>) target_semaphore(%run_scoped3A : memref<!tpu.dma_semaphore, #tpu.memory_space<semaphore_mem>>)
        %dma_wait3A_166 = arith.constant 0 : i32
        %dma_wait3A_167 = tpu.memref_slice %arg7[%mul3A_161, %dma_wait3A_166] : memref<10240x16xf32, #tpu.memory_space<hbm>> -> memref<640x16xf32, #tpu.memory_space<hbm>>
        %dma_wait3A_168 = arith.constant 0 : i32
        %dma_wait3A_169 = tpu.memref_slice %arg11[%mul3A_159, %dma_wait3A_168] : memref<10240x16xf32, #tpu.memory_space<vmem_shared>> -> memref<640x16xf32, #tpu.memory_space<vmem_shared>>
        tpu.wait_dma2 semaphore(%run_scoped3A : memref<!tpu.dma_semaphore, #tpu.memory_space<semaphore_mem>>) src(%dma_wait3A_169 : memref<640x16xf32, #tpu.memory_space<vmem_shared>>) dst(%dma_wait3A_167 : memref<640x16xf32, #tpu.memory_space<hbm>>)
        tpu.yield
      }) : () -> ()
    } else {
    }
    return
  }
}

module attributes {stable_mosaic.version = 14 : i64} {
  func.func @body(%arg0: i32, %arg1: memref<2000x128xf32, #tpu.memory_space<vmem>>, %arg2: memref<128x32xf32, #tpu.memory_space<vmem>>, %arg3: memref<2000x32xf32, #tpu.memory_space<vmem>>) attributes {dimension_semantics = [#tpu.dimension_semantics<arbitrary>], iteration_bounds = array<i64: 5>, scalar_prefetch = 0 : i64, scratch_operands = 0 : i64, tpu.core_type = #tpu.core_type<tc>, window_params = [{transform_indices = @transform_0, window_bounds = array<i64: 2000, 128>}, {pipeline_mode = #tpu.pipeline_mode<synchronous>, transform_indices = @transform_1, window_bounds = array<i64: 128, 32>}, {transform_indices = @transform_2, window_bounds = array<i64: 2000, 32>}]} {
    %get3A = arith.constant 0 : index
    %get3A_0 = arith.constant 0 : index
    %get3A_1 = vector.load %arg1[%get3A, %get3A_0] : memref<2000x128xf32, #tpu.memory_space<vmem>>, vector<2000x128xf32>
    %get3A_2 = arith.constant 0 : index
    %get3A_3 = arith.constant 0 : index
    %get3A_4 = vector.load %arg2[%get3A_2, %get3A_3] : memref<128x32xf32, #tpu.memory_space<vmem>>, vector<128x32xf32>
    %dot_general3A = arith.constant dense<0.000000e+00> : vector<2000x32xf32>
    %dot_general3A_5 = tpu.matmul %get3A_1, %get3A_4, %dot_general3A {dimension_numbers = #tpu.dot_dimension_numbers<[1], [0], [0], [1], [0, 0, 1, 1], [], []>, transpose_lhs_hint = false} : vector<2000x128xf32>, vector<128x32xf32>, vector<2000x32xf32> -> vector<2000x32xf32>
    %swap3A = arith.constant 0 : index
    %swap3A_6 = arith.constant 0 : index
    %swap3A_7 = vector.load %arg3[%swap3A, %swap3A_6] : memref<2000x32xf32, #tpu.memory_space<vmem>>, vector<2000x32xf32>
    tpu.vector_store %arg3[%swap3A, %swap3A_6], %dot_general3A_5 {strides = array<i32>} : memref<2000x32xf32, #tpu.memory_space<vmem>>, vector<2000x32xf32>,
    return
  }
  func.func @transform_0(%arg0: i32) -> (i32, i32) {
    %c0_i32 = arith.constant 0 : i32
    %c0_i32_0 = arith.constant 0 : i32
    return %arg0, %c0_i32 : i32, i32
  }
  func.func @transform_1(%arg0: i32) -> (i32, i32) {
    %c0_i32 = arith.constant 0 : i32
    %c0_i32_0 = arith.constant 0 : i32
    %c0_i32_1 = arith.constant 0 : i32
    return %c0_i32, %c0_i32_0 : i32, i32
  }
  func.func @transform_2(%arg0: i32) -> (i32, i32) {
    %c0_i32 = arith.constant 0 : i32
    %c0_i32_0 = arith.constant 0 : i32
    return %arg0, %c0_i32 : i32, i32
  }
}

module attributes {stable_mosaic.version = 14 : i64} {
  func.func @body(%arg0: i32, %arg1: memref<5000x32xf32, #tpu.memory_space<vmem>>, %arg2: memref<5000x32xf32, #tpu.memory_space<vmem>>, %arg3: memref<5000x32xf32, #tpu.memory_space<vmem>>, %arg4: memref<1x32xf32, #tpu.memory_space<vmem>>, %arg5: memref<32x16xf32, #tpu.memory_space<vmem>>, %arg6: memref<1x16xf32, #tpu.memory_space<vmem>>, %arg7: memref<5000x16xf32, #tpu.memory_space<vmem>>) attributes {dimension_semantics = [#tpu.dimension_semantics<arbitrary>], iteration_bounds = array<i64: 2>, scalar_prefetch = 0 : i64, scratch_operands = 0 : i64, tpu.core_type = #tpu.core_type<tc>, window_params = [{transform_indices = @transform_0, window_bounds = array<i64: 5000, 32>}, {transform_indices = @transform_1, window_bounds = array<i64: 5000, 32>}, {transform_indices = @transform_2, window_bounds = array<i64: 5000, 32>}, {pipeline_mode = #tpu.pipeline_mode<synchronous>, transform_indices = @transform_3, window_bounds = array<i64: 1, 32>}, {pipeline_mode = #tpu.pipeline_mode<synchronous>, transform_indices = @transform_4, window_bounds = array<i64: 32, 16>}, {pipeline_mode = #tpu.pipeline_mode<synchronous>, transform_indices = @transform_5, window_bounds = array<i64: 1, 16>}, {transform_indices = @transform_6, window_bounds = array<i64: 5000, 16>}]} {
    %get3A = arith.constant 0 : index
    %get3A_0 = arith.constant 0 : index
    %get3A_1 = vector.load %arg1[%get3A, %get3A_0] : memref<5000x32xf32, #tpu.memory_space<vmem>>, vector<5000x32xf32>
    %get3A_2 = arith.constant 0 : index
    %get3A_3 = arith.constant 0 : index
    %get3A_4 = vector.load %arg2[%get3A_2, %get3A_3] : memref<5000x32xf32, #tpu.memory_space<vmem>>, vector<5000x32xf32>
    %add3A = arith.addf %get3A_1, %get3A_4 : vector<5000x32xf32>
    %get3A_5 = arith.constant 0 : index
    %get3A_6 = arith.constant 0 : index
    %get3A_7 = vector.load %arg3[%get3A_5, %get3A_6] : memref<5000x32xf32, #tpu.memory_space<vmem>>, vector<5000x32xf32>
    %add3A_8 = arith.addf %add3A, %get3A_7 : vector<5000x32xf32>
    %get3A_9 = arith.constant 0 : index
    %get3A_10 = arith.constant 0 : index
    %get3A_11 = vector.load %arg4[%get3A_9, %get3A_10] : memref<1x32xf32, #tpu.memory_space<vmem>>, vector<1x32xf32>
    %add3A_12 = vector.broadcast %get3A_11 : vector<1x32xf32> to vector<5000x32xf32>
    %add3A_13 = arith.addf %add3A_8, %add3A_12 : vector<5000x32xf32>
    %max3A = arith.constant 0.000000e+00 : f32
    %max3A_14 = vector.broadcast %max3A : f32 to vector<5000x32xf32>
    %max3A_15 = arith.maximumf %add3A_13, %max3A_14 : vector<5000x32xf32>
    %get3A_16 = arith.constant 0 : index
    %get3A_17 = arith.constant 0 : index
    %get3A_18 = vector.load %arg5[%get3A_16, %get3A_17] : memref<32x16xf32, #tpu.memory_space<vmem>>, vector<32x16xf32>
    %dot_general3A = arith.constant dense<0.000000e+00> : vector<5000x16xf32>
    %dot_general3A_19 = tpu.matmul %max3A_15, %get3A_18, %dot_general3A {dimension_numbers = #tpu.dot_dimension_numbers<[1], [0], [0], [1], [0, 0, 1, 1], [], []>, transpose_lhs_hint = false} : vector<5000x32xf32>, vector<32x16xf32>, vector<5000x16xf32> -> vector<5000x16xf32>
    %get3A_20 = arith.constant 0 : index
    %get3A_21 = arith.constant 0 : index
    %get3A_22 = vector.load %arg6[%get3A_20, %get3A_21] : memref<1x16xf32, #tpu.memory_space<vmem>>, vector<1x16xf32>
    %add3A_23 = vector.broadcast %get3A_22 : vector<1x16xf32> to vector<5000x16xf32>
    %add3A_24 = arith.addf %dot_general3A_19, %add3A_23 : vector<5000x16xf32>
    %max3A_25 = arith.constant 0.000000e+00 : f32
    %max3A_26 = vector.broadcast %max3A_25 : f32 to vector<5000x16xf32>
    %max3A_27 = arith.maximumf %add3A_24, %max3A_26 : vector<5000x16xf32>
    %swap3A = arith.constant 0 : index
    %swap3A_28 = arith.constant 0 : index
    %swap3A_29 = vector.load %arg7[%swap3A, %swap3A_28] : memref<5000x16xf32, #tpu.memory_space<vmem>>, vector<5000x16xf32>
    tpu.vector_store %arg7[%swap3A, %swap3A_28], %max3A_27 {strides = array<i32>} : memref<5000x16xf32, #tpu.memory_space<vmem>>, vector<5000x16xf32>,
    return
  }
  func.func @transform_0(%arg0: i32) -> (i32, i32) {
    %c0_i32 = arith.constant 0 : i32
    %c0_i32_0 = arith.constant 0 : i32
    return %arg0, %c0_i32 : i32, i32
  }
  func.func @transform_1(%arg0: i32) -> (i32, i32) {
    %c0_i32 = arith.constant 0 : i32
    %c0_i32_0 = arith.constant 0 : i32
    return %arg0, %c0_i32 : i32, i32
  }
  func.func @transform_2(%arg0: i32) -> (i32, i32) {
    %c0_i32 = arith.constant 0 : i32
    %c0_i32_0 = arith.constant 0 : i32
    return %arg0, %c0_i32 : i32, i32
  }
  func.func @transform_3(%arg0: i32) -> (i32, i32) {
    %c0_i32 = arith.constant 0 : i32
    %c0_i32_0 = arith.constant 0 : i32
    %c0_i32_1 = arith.constant 0 : i32
    return %c0_i32, %c0_i32_0 : i32, i32
  }
  func.func @transform_4(%arg0: i32) -> (i32, i32) {
    %c0_i32 = arith.constant 0 : i32
    %c0_i32_0 = arith.constant 0 : i32
    %c0_i32_1 = arith.constant 0 : i32
    return %c0_i32, %c0_i32_0 : i32, i32
  }
  func.func @transform_5(%arg0: i32) -> (i32, i32) {
    %c0_i32 = arith.constant 0 : i32
    %c0_i32_0 = arith.constant 0 : i32
    %c0_i32_1 = arith.constant 0 : i32
    return %c0_i32, %c0_i32_0 : i32, i32
  }
  func.func @transform_6(%arg0: i32) -> (i32, i32) {
    %c0_i32 = arith.constant 0 : i32
    %c0_i32_0 = arith.constant 0 : i32
    return %arg0, %c0_i32 : i32, i32
  }
}

module attributes {stable_mosaic.version = 14 : i64} {
  func.func @body(%arg0: i32, %arg1: memref<5000x16xf32, #tpu.memory_space<vmem>>, %arg2: memref<5000x16xf32, #tpu.memory_space<vmem>>, %arg3: memref<5000x16xf32, #tpu.memory_space<vmem>>, %arg4: memref<16x32xf32, #tpu.memory_space<vmem>>, %arg5: memref<1x32xf32, #tpu.memory_space<vmem>>, %arg6: memref<32x16xf32, #tpu.memory_space<vmem>>, %arg7: memref<1x16xf32, #tpu.memory_space<vmem>>, %arg8: memref<16x40xf32, #tpu.memory_space<vmem>>, %arg9: memref<1x40xf32, #tpu.memory_space<vmem>>, %arg10: memref<5000x40xf32, #tpu.memory_space<vmem>>) attributes {dimension_semantics = [#tpu.dimension_semantics<arbitrary>], iteration_bounds = array<i64: 2>, scalar_prefetch = 0 : i64, scratch_operands = 0 : i64, tpu.core_type = #tpu.core_type<tc>, window_params = [{transform_indices = @transform_0, window_bounds = array<i64: 5000, 16>}, {transform_indices = @transform_1, window_bounds = array<i64: 5000, 16>}, {transform_indices = @transform_2, window_bounds = array<i64: 5000, 16>}, {pipeline_mode = #tpu.pipeline_mode<synchronous>, transform_indices = @transform_3, window_bounds = array<i64: 16, 32>}, {pipeline_mode = #tpu.pipeline_mode<synchronous>, transform_indices = @transform_4, window_bounds = array<i64: 1, 32>}, {pipeline_mode = #tpu.pipeline_mode<synchronous>, transform_indices = @transform_5, window_bounds = array<i64: 32, 16>}, {pipeline_mode = #tpu.pipeline_mode<synchronous>, transform_indices = @transform_6, window_bounds = array<i64: 1, 16>}, {pipeline_mode = #tpu.pipeline_mode<synchronous>, transform_indices = @transform_7, window_bounds = array<i64: 16, 40>}, {pipeline_mode = #tpu.pipeline_mode<synchronous>, transform_indices = @transform_8, window_bounds = array<i64: 1, 40>}, {transform_indices = @transform_9, window_bounds = array<i64: 5000, 40>}]} {
    %get3A = arith.constant 0 : index
    %get3A_0 = arith.constant 0 : index
    %get3A_1 = vector.load %arg1[%get3A, %get3A_0] : memref<5000x16xf32, #tpu.memory_space<vmem>>, vector<5000x16xf32>
    %get3A_2 = arith.constant 0 : index
    %get3A_3 = arith.constant 0 : index
    %get3A_4 = vector.load %arg2[%get3A_2, %get3A_3] : memref<5000x16xf32, #tpu.memory_space<vmem>>, vector<5000x16xf32>
    %add3A = arith.addf %get3A_1, %get3A_4 : vector<5000x16xf32>
    %get3A_5 = arith.constant 0 : index
    %get3A_6 = arith.constant 0 : index
    %get3A_7 = vector.load %arg3[%get3A_5, %get3A_6] : memref<5000x16xf32, #tpu.memory_space<vmem>>, vector<5000x16xf32>
    %add3A_8 = arith.addf %add3A, %get3A_7 : vector<5000x16xf32>
    %get3A_9 = arith.constant 0 : index
    %get3A_10 = arith.constant 0 : index
    %get3A_11 = vector.load %arg4[%get3A_9, %get3A_10] : memref<16x32xf32, #tpu.memory_space<vmem>>, vector<16x32xf32>
    %dot_general3A = arith.constant dense<0.000000e+00> : vector<5000x32xf32>
    %dot_general3A_12 = tpu.matmul %add3A_8, %get3A_11, %dot_general3A {dimension_numbers = #tpu.dot_dimension_numbers<[1], [0], [0], [1], [0, 0, 1, 1], [], []>, transpose_lhs_hint = false} : vector<5000x16xf32>, vector<16x32xf32>, vector<5000x32xf32> -> vector<5000x32xf32>
    %get3A_13 = arith.constant 0 : index
    %get3A_14 = arith.constant 0 : index
    %get3A_15 = vector.load %arg5[%get3A_13, %get3A_14] : memref<1x32xf32, #tpu.memory_space<vmem>>, vector<1x32xf32>
    %add3A_16 = vector.broadcast %get3A_15 : vector<1x32xf32> to vector<5000x32xf32>
    %add3A_17 = arith.addf %dot_general3A_12, %add3A_16 : vector<5000x32xf32>
    %max3A = arith.constant 0.000000e+00 : f32
    %max3A_18 = vector.broadcast %max3A : f32 to vector<5000x32xf32>
    %max3A_19 = arith.maximumf %add3A_17, %max3A_18 : vector<5000x32xf32>
    %get3A_20 = arith.constant 0 : index
    %get3A_21 = arith.constant 0 : index
    %get3A_22 = vector.load %arg6[%get3A_20, %get3A_21] : memref<32x16xf32, #tpu.memory_space<vmem>>, vector<32x16xf32>
    %dot_general3A_23 = arith.constant dense<0.000000e+00> : vector<5000x16xf32>
    %dot_general3A_24 = tpu.matmul %max3A_19, %get3A_22, %dot_general3A_23 {dimension_numbers = #tpu.dot_dimension_numbers<[1], [0], [0], [1], [0, 0, 1, 1], [], []>, transpose_lhs_hint = false} : vector<5000x32xf32>, vector<32x16xf32>, vector<5000x16xf32> -> vector<5000x16xf32>
    %get3A_25 = arith.constant 0 : index
    %get3A_26 = arith.constant 0 : index
    %get3A_27 = vector.load %arg7[%get3A_25, %get3A_26] : memref<1x16xf32, #tpu.memory_space<vmem>>, vector<1x16xf32>
    %add3A_28 = vector.broadcast %get3A_27 : vector<1x16xf32> to vector<5000x16xf32>
    %add3A_29 = arith.addf %dot_general3A_24, %add3A_28 : vector<5000x16xf32>
    %max3A_30 = arith.constant 0.000000e+00 : f32
    %max3A_31 = vector.broadcast %max3A_30 : f32 to vector<5000x16xf32>
    %max3A_32 = arith.maximumf %add3A_29, %max3A_31 : vector<5000x16xf32>
    %get3A_33 = arith.constant 0 : index
    %get3A_34 = arith.constant 0 : index
    %get3A_35 = vector.load %arg8[%get3A_33, %get3A_34] : memref<16x40xf32, #tpu.memory_space<vmem>>, vector<16x40xf32>
    %dot_general3A_36 = arith.constant dense<0.000000e+00> : vector<5000x40xf32>
    %dot_general3A_37 = tpu.matmul %max3A_32, %get3A_35, %dot_general3A_36 {dimension_numbers = #tpu.dot_dimension_numbers<[1], [0], [0], [1], [0, 0, 1, 1], [], []>, transpose_lhs_hint = false} : vector<5000x16xf32>, vector<16x40xf32>, vector<5000x40xf32> -> vector<5000x40xf32>
    %get3A_38 = arith.constant 0 : index
    %get3A_39 = arith.constant 0 : index
    %get3A_40 = vector.load %arg9[%get3A_38, %get3A_39] : memref<1x40xf32, #tpu.memory_space<vmem>>, vector<1x40xf32>
    %add3A_41 = vector.broadcast %get3A_40 : vector<1x40xf32> to vector<5000x40xf32>
    %add3A_42 = arith.addf %dot_general3A_37, %add3A_41 : vector<5000x40xf32>
    %swap3A = arith.constant 0 : index
    %swap3A_43 = arith.constant 0 : index
    %swap3A_44 = vector.load %arg10[%swap3A, %swap3A_43] : memref<5000x40xf32, #tpu.memory_space<vmem>>, vector<5000x40xf32>
    tpu.vector_store %arg10[%swap3A, %swap3A_43], %add3A_42 {strides = array<i32>} : memref<5000x40xf32, #tpu.memory_space<vmem>>, vector<5000x40xf32>,
    return
  }
  func.func @transform_0(%arg0: i32) -> (i32, i32) {
    %c0_i32 = arith.constant 0 : i32
    %c0_i32_0 = arith.constant 0 : i32
    return %arg0, %c0_i32 : i32, i32
  }
  func.func @transform_1(%arg0: i32) -> (i32, i32) {
    %c0_i32 = arith.constant 0 : i32
    %c0_i32_0 = arith.constant 0 : i32
    return %arg0, %c0_i32 : i32, i32
  }
  func.func @transform_2(%arg0: i32) -> (i32, i32) {
    %c0_i32 = arith.constant 0 : i32
    %c0_i32_0 = arith.constant 0 : i32
    return %arg0, %c0_i32 : i32, i32
  }
  func.func @transform_3(%arg0: i32) -> (i32, i32) {
    %c0_i32 = arith.constant 0 : i32
    %c0_i32_0 = arith.constant 0 : i32
    %c0_i32_1 = arith.constant 0 : i32
    return %c0_i32, %c0_i32_0 : i32, i32
  }
  func.func @transform_4(%arg0: i32) -> (i32, i32) {
    %c0_i32 = arith.constant 0 : i32
    %c0_i32_0 = arith.constant 0 : i32
    %c0_i32_1 = arith.constant 0 : i32
    return %c0_i32, %c0_i32_0 : i32, i32
  }
  func.func @transform_5(%arg0: i32) -> (i32, i32) {
    %c0_i32 = arith.constant 0 : i32
    %c0_i32_0 = arith.constant 0 : i32
    %c0_i32_1 = arith.constant 0 : i32
    return %c0_i32, %c0_i32_0 : i32, i32
  }
  func.func @transform_6(%arg0: i32) -> (i32, i32) {
    %c0_i32 = arith.constant 0 : i32
    %c0_i32_0 = arith.constant 0 : i32
    %c0_i32_1 = arith.constant 0 : i32
    return %c0_i32, %c0_i32_0 : i32, i32
  }
  func.func @transform_7(%arg0: i32) -> (i32, i32) {
    %c0_i32 = arith.constant 0 : i32
    %c0_i32_0 = arith.constant 0 : i32
    %c0_i32_1 = arith.constant 0 : i32
    return %c0_i32, %c0_i32_0 : i32, i32
  }
  func.func @transform_8(%arg0: i32) -> (i32, i32) {
    %c0_i32 = arith.constant 0 : i32
    %c0_i32_0 = arith.constant 0 : i32
    %c0_i32_1 = arith.constant 0 : i32
    return %c0_i32, %c0_i32_0 : i32, i32
  }
  func.func @transform_9(%arg0: i32) -> (i32, i32) {
    %c0_i32 = arith.constant 0 : i32
    %c0_i32_0 = arith.constant 0 : i32
    return %arg0, %c0_i32 : i32, i32
  }
}

</mosaic_0001>

<sc_bundles>
// kernel: kernel.10.cloned.1.call-start
scs
__scs_entry_jumppad:
0x0: {  	(pc) =	sbr.rel $0x88, $3  }
0x1: {  	(tag) =	ssettag $0x0;
	lr =	simm.s32 $0x1  }
0x2: {  	[smem:$0x3F95] =	sst lr;
	_ =	strace $0xD0000000  }
0x3: {  	_ = 	snop  }
0x4: {  	_ = 	snop  }
0x5: {  	_ = 	snop  }
0x6: {  	_ = 	snop  }
0x7: {  	_ = 	snop  }
__scs_overlays_trampoline_lowered:
0x8: {  	[smem:$0x3FA4] =	sst s0  }
0x9: {  	[smem:$0x3FA5] =	sst s1  }
0xa: {  	[smem:$0x3FA6] =	sst s2  }
0xb: {  	[smem:$0x3FA7] =	sst s3  }
0xc: {  	[smem:$0x3FA8] =	sst s4  }
0xd: {  	[smem:$0x3FA9] =	sst s5  }
0xe: {  	[smem:$0x3FAA] =	sst s6  }
0xf: {  	[smem:$0x3FAB] =	sst s7  }
0x10: {  	[smem:$0x3FAC] =	sst s8  }
0x11: {  	[smem:$0x3FAD] =	sst s9;
	s0 =	simm.s32 @!p0 $0x0  }
0x12: {  	s1 =	sld [smem:$0x3F93];
	s0 =	simm.s32 @p0 $0x1  }
0x13: {  	[smem:$0x3FAE] =	sst s0;
	s0 =	simm.s32 @!p1 $0x0  }
0x14: {  	s2 =	sld [smem:$0x3F92];
	s0 =	simm.s32 @p1 $0x1  }
0x15: {  	[smem:$0x3FAF] =	sst s0;
	s0 =	simm.s32 @!p2 $0x0  }
0x16: {  	s3 =	sld [smem:$0x3FDB];
	s0 =	simm.s32 @p2 $0x1  }
0x17: {  	s4 =	simm.s32 $0x1BF5;
	[smem:$0x3FB1] =	sst s0  }
0x18: {  	s0 =	sld [smem:$0x3F94];
	_ =	swait.ge [sflag:s4], $0x0  }
0x19: {  	s7 =	sld [smem:$0x3F95]  }
0x1a: {  	s8 =	sadd.s32 $0xFFFFE003, lr  }
0x1b: {  	s9 =	sadd.s32 $0xFFFFFEF7, lr;
	s5 =	simm.s32 $0xFFFFFFFF;
	p2 =	slt.u32 s8, $0xFFFFF086  }
0x1c: {  	p1 =	slt.u32 s9, $0xF7A;
	s5 =	simm.s32 @!p2 $0x0  }
0x1d: {  	s5 =	simm.s32 @p1 $0x1;
	p0 =	seq.s32 s7, s2  }
0x1e: {  	s7 =	smul.u32 @!p0 $0xF7A, s2;
	p2 =	seq.s32 @!p0 s5, $0x0  }
0x1f: {  	s9 =	smul.u32 $0xF7A, s1;
	s8 =	simm.s32 @!p0 $0x1BF5;
	p2 =	por !p2, p0  }
0x20: {  	[sflag:s8] =	ssyncset.s32 @!p0 $0xFFFFF086;
	s6 =	sadd.s32 @!p0 s3, s7;
	s7 =	simm.s32 @!p0 $0x108  }
0x21: {  	s3 =	sadd.s32 s3, s9;
	s6 =	sadd.s32 @!p0 $0x88, s6;
	s7 =	simm.s32 @p2 $0x1082  }
0x22: {  	[simem:s7], [sflag:s8] =	dma.local @!p0 [hbm:s6], $0xF7A  }
0x23: {  	s9 =	sor.u32 $0xD0000000, s2;
	s6 =	simm.s32 $0x108;
	_ =	swait.ge @!p0 [sflag:s8], $0x0  }
0x24: {  	s3 =	sadd.s32 $0x88, s3;
	s6 =	simm.s32 @!p1 $0x1082;
	[sflag:s4] =	ssyncset.s32 $0xFFFFF086  }
0x25: {  	[simem:s6], [sflag:s4] =	dma.local [hbm:s3], $0xF7A  }
0x26: {  	[smem:$0x3F95] =	sst s1;
	(tag) =	ssettag s2;
	_ =	strace s9  }
0x27: {  	s1 =	sld [smem:$0x3FA5]  }
0x28: {  	s2 =	sld [smem:$0x3FA6]  }
0x29: {  	s4 =	sld [smem:$0x3FA8]  }
0x2a: {  	p0 =	seq.s32 s5, $0x0;
	s5 =	sld [smem:$0x3FA9]  }
0x2b: {  	s6 =	sld [smem:$0x3FAA]  }
0x2c: {  	s7 =	sld [smem:$0x3FAB]  }
0x2d: {  	s3 =	simm.s32 $0x108;
	s8 =	sld [smem:$0x3FAC]  }
0x2e: {  	s3 =	simm.s32 @!p0 $0x1082;
	s9 =	sld [smem:$0x3FAD]  }
0x2f: {  	lr =	sadd.s32 s0, s3;
	s0 =	sld [smem:$0x3FA4]  }
0x30: {  	s3 =	sld [smem:$0x3FA7]  }
0x31: {  	[smem:$0x3FB0] =	sst s10  }
0x32: {  	s10 =	sld [smem:$0x3FAE];
	_ =	sdelay $0x3  }
0x33: {  	p0 =	seq.s32 s10, $0x1;
	s10 =	sld [smem:$0x3FB0];
	_ =	sdelay $0x3  }
0x34: {  	[smem:$0x3FB0] =	sst s10  }
0x35: {  	s10 =	sld [smem:$0x3FAF];
	_ =	sdelay $0x3  }
0x36: {  	p1 =	seq.s32 s10, $0x1;
	s10 =	sld [smem:$0x3FB0];
	_ =	sdelay $0x3  }
0x37: {  	[smem:$0x3FB0] =	sst s10  }
0x38: {  	s10 =	sld [smem:$0x3FB1]  }
0x39: {  	_ = 	snop;
	(pc) =	sbr.ind lr, $3  }
0x3a: {  	_ = 	snop  }
0x3b: {  	_ = 	snop  }
0x3c: {  	p2 =	seq.s32 s10, $0x1;
	s10 =	sld [smem:$0x3FB0]  }
0x3d: {  	_ =	shalt  }
0x3e: {  	_ =	shalt  }
0x3f: {  	_ =	shalt  }
0x40: {  	_ =	shalt  }
0x41: {  	_ =	shalt  }
0x42: {  	_ =	shalt  }
0x43: {  	_ =	shalt  }
0x44: {  	_ =	shalt  }
0x45: {  	_ =	shalt  }
0x46: {  	_ =	shalt  }
0x47: {  	_ =	shalt  }
0x48: {  	_ =	shalt  }
0x49: {  	_ =	shalt  }
0x4a: {  	_ =	shalt  }
0x4b: {  	_ =	shalt  }
0x4c: {  	_ =	shalt  }
0x4d: {  	_ =	shalt  }
0x4e: {  	_ =	shalt  }
0x4f: {  	_ =	shalt  }
0x50: {  	_ =	shalt  }
0x51: {  	_ =	shalt  }
0x52: {  	_ =	shalt  }
0x53: {  	_ =	shalt  }
0x54: {  	_ =	shalt  }
0x55: {  	_ =	shalt  }
0x56: {  	_ =	shalt  }
0x57: {  	_ =	shalt  }
0x58: {  	_ =	shalt  }
0x59: {  	_ =	shalt  }
0x5a: {  	_ =	shalt  }
0x5b: {  	_ =	shalt  }
0x5c: {  	_ =	shalt  }
0x5d: {  	_ =	shalt  }
0x5e: {  	_ =	shalt  }
0x5f: {  	_ =	shalt  }
0x60: {  	_ =	shalt  }
0x61: {  	_ =	shalt  }
0x62: {  	_ =	shalt  }
0x63: {  	_ =	shalt  }
0x64: {  	_ =	shalt  }
0x65: {  	_ =	shalt  }
0x66: {  	_ =	shalt  }
0x67: {  	_ =	shalt  }
0x68: {  	_ =	shalt  }
0x69: {  	_ =	shalt  }
0x6a: {  	_ =	shalt  }
0x6b: {  	_ =	shalt  }
0x6c: {  	_ =	shalt  }
0x6d: {  	_ =	shalt  }
0x6e: {  	_ =	shalt  }
0x6f: {  	_ =	shalt  }
0x70: {  	_ =	shalt  }
0x71: {  	_ =	shalt  }
0x72: {  	_ =	shalt  }
0x73: {  	_ =	shalt  }
0x74: {  	_ =	shalt  }
0x75: {  	_ =	shalt  }
0x76: {  	_ =	shalt  }
0x77: {  	_ =	shalt  }
0x78: {  	_ =	shalt  }
0x79: {  	_ =	shalt  }
0x7a: {  	_ =	shalt  }
0x7b: {  	_ =	shalt  }
0x7c: {  	_ =	shalt  }
0x7d: {  	_ =	shalt  }
0x7e: {  	_ =	shalt  }
0x7f: {  	_ =	shalt  }
0x80: {  	_ =	shalt  }
0x81: {  	_ =	shalt  }
0x82: {  	_ =	shalt  }
0x83: {  	_ =	shalt  }
0x84: {  	_ =	shalt  }
0x85: {  	_ =	shalt  }
0x86: {  	_ =	shalt  }
0x87: {  	_ =	shalt  }
.Lfunc_end0:
.L_simem_size_0:
called_computation.1_lowered:
.L_overlay_start_0:
0x88: {  	s2 =	sld [smem:$0x3FD9]  }
0x89: {  	s3 =	sld [smem:$0x3FFE];
	_ =	sdelay $0x1  }
0x8a: {  	s1 =	srdreg.scid  }
0x8b: {  	s0 =	sand.u32 $0x1, s1  }
0x8c: {  	s17 =	sshll.u32 s0, $0xA;
	s2 =	sadd.s32 s3, s2  }
0x8d: {  	s2 =	sadd.s32 s2, s17  }
0x8e: {  	[smem:$0x3FBC] =	sst s2  }
0x8f: {  	_ = 	snop  }
0x90: {  	s2 =	sld [smem:$0x3FD0];
	(tm) =	ssettm $0x1  }
0x91: {  	s18 =	sld [smem:$0x3FFB];
	_ =	sdelay $0x3  }
0x92: {  	_ =	strace s18  }
0x93: {  	s3 =	sld [smem:$0x3FFC];
	_ =	sdelay $0x3  }
0x94: {  	_ =	strace s3  }
0x95: {  	s3 =	sld [smem:$0x3FFD];
	_ =	sdelay $0x3  }
0x96: {  	_ =	strace s3  }
0x97: {  	_ =	strace $0x8FFFFFFF  }
0x98: {  	s19 =	sld [smem:$0x3FDB];
	_ =	sdelay $0x1  }
0x99: {  	s4 =	simm.s32 $_scs_section_size  }
0x9a: {  	s5 =	simm.s32 $_size__tile_overlayer_lowered;
	s6 =	simm.s32 $_tile_overlayer_lowered  }
0x9b: {  	s22 =	simm.s32 $0x1BFF;
	s21 =	sshll.u32 s6, $0x1;
	s3 =	sadd.s32 s4, s19  }
0x9c: {  	s7 =	simm.s32 $0x0;
	s20 =	sshll.u32 s5, $0x1;
	s5 =	sadd.s32 s21, s3  }
0x9d: {  	[timem:s7], [sflag:s22] =	dma.local [hbm:s5], s20  }
0x9e: {  	_ =	swait.ge [sflag:s22], s20  }
0x9f: {  	s4 =	ssub.s32 $0x0, s20;
	[sflag:s22] =	ssyncset.done $0x0  }
0xa0: {  	[sflag:s22] =	ssyncadd.s32 s4;
	_ =	sdelay $0x1  }
0xa1: {  	s23 =	simm.s32 $0x1B8B  }
0xa2: {  	_ =	swait.ge [sflag:s23], $0x1  }
0xa3: {  	[sflag:s23] =	ssyncset.done $0x0  }
0xa4: {  	s25 =	simm.s32 $0x1B8E;
	s24 =	sld [smem:$0x3FFE];
	[sflag:s23] =	ssyncadd.s32 $0xFFFFFFFF  }
0xa5: {  	s26 =	simm.s32 $execute0_lowered;
	[smem:$0x3FD2] =	sst s25  }
0xa6: {  	s5 =	sshll.u32 s26, $0x1;
	_ =	strace $0x80000049;
	[dreg:$0x1] =	wrdreg $0xFFFFFFFF  }
0xa7: {  	s28 =	simm.s32 $_size_execute0_lowered;
	s3 =	sadd.s32 s3, s5;
	[dreg:$0x0] =	wrdreg $0x0  }
0xa8: {  	s5 =	sshll.u32 s28, $0x1;
	[dreg:$0x2] =	wrdreg s3  }
0xa9: {  	[dreg:$0x3] =	wrdreg s5  }
0xaa: {  	[dreg:$0x4] =	wrdreg $0xC0  }
0xab: {  	_ =	task [dreg:s7], $0x5FFFF  }
0xac: {  	[dreg:$0x1] =	wrdreg $0xFFFFFFFF  }
0xad: {  	[dreg:$0x0] =	wrdreg $0x60  }
0xae: {  	[dreg:$0x2] =	wrdreg s24  }
0xaf: {  	[dreg:$0x3] =	wrdreg s2  }
0xb0: {  	[dreg:$0x4] =	wrdreg $0x83400  }
0xb1: {  	[dreg:$0x5] =	wrdreg $0xAB400  }
0xb2: {  	[dreg:$0x6] =	wrdreg $0x9  }
0xb3: {  	_ =	task.clear_ibuf [dreg:s7], $0x7FFFF;
	_ =	strace $0x90000049  }
0xb4: {  	s29 =	simm.s32 $0x9;
	_ =	strace $0x8000004B  }
0xb5: {  	_ =	swait.ge [sflag:s29], $0x1  }
0xb6: {  	[sflag:s29] =	ssyncadd.s32 $0xFFFFFFFF  }
0xb7: {  	_ =	strace $0x9000004B  }
0xb8: {  	_ =	sfence  }
0xb9: {  	s30 =	sld [smem:$0x0];
	_ =	sdelay $0x2  }
0xba: {  	s31 =	sshll.u32 s1, $0xD;
	s1 =	sshrl.u32 s1, $0x2  }
0xbb: {  	s3 =	sand.u32 $0x4000, s31;
	s1 =	sadd.s32 s1, s30  }
0xbc: {  	s0 =	sor.u32 s3, s0;
	s1 =	sshll.u32 s1, $0x11  }
0xbd: {  	s0 =	sor.u32 s1, s0  }
0xbe: {  	s0 =	sadd.s32 $0x8F2B, s0  }
0xbf: {  	[sflag:s0] =	ssyncadd.remote.s32 $0x1  }
0xc0: {  	_ =	sfence.sel $0xFFFF  }
0xc1: {  	[dreg:$0x0] =	wrdreg $0xFFFFFFFF;
	(pc) =	sbr.abs _section_cstart, $3  }
0xc2: {  	[dreg:$0x1] =	wrdreg $0xFFFFFFFF  }
0xc3: {  	_ =	task.clear_ibuf [dreg:s7], $0x2FFFF;
	_ =	strace $0x9FFFFFFF  }
0xc4: {  	(tm) =	ssettm $0x7FFFFFFF  }
0xc5: {  	_ =	shalt  }
tec
execute0_lowered:
.L_overlay_start_1:
0x0: {  	(tag) =	ssettag $0x1  }
0x1: {  	s0 =	rddreg [dreg:$0x0]  }
0x2: {  	s1 =	rddreg [dreg:$0x1]  }
0x3: {  	s2 =	rddreg [dreg:$0x2]  }
0x4: {  	s3 =	rddreg [dreg:$0x3];
	s4 =	simm.s32 $0x0;
	s16 =	stileid.u32  }
0x5: {  	s5 =	srdreg.scid;
	s18 =	simm.s32 $0x5140;
	s20 =	simm.s32 $0x5780  }
0x6: {  	s22 =	simm.s32 $0x5DC0;
	s28 =	simm.s32 $0x1;
	s29 =	simm.s32 $0x4  }
0x7: {  	s30 =	simm.s32 $0x0;
	s8 =	smul.u32 $0x2710, s16;
	s9 =	sand.u32 $0x1, s5  }
0x8: {  	s23 =	sshll.u32 s16, $0x1;
	[smem:$0x7FF] =	sst s4;
	s12 =	smul.u32 $0x2800, s16  }
0x9: {  	s25 =	sadd.s32 $0x11C00, s0;
	s5 =	sor.u32 s9, s23;
	_ =	strace $0x8000004A  }
0xa: {  	s24 =	ssub.s32 $0x2, s9;
	[dreg:$0x5] =	wrdreg s25;
	p0 =	seq.s32 s9, $0x1  }
0xb: {  	s6 =	sshrl.u32 s8, $0x3;
	s10 =	smul.u32 $0x514, s5;
	s7 =	sshrl.u32 s24, $0x1  }
0xc: {  	s15 =	sadd.s32 s12, s2;
	s17 =	sadd.s32 s8, s3;
	s31 =	sshrl.u32 s12, $0x3  }
0xd: {  	s11 =	sadd.s32 s6, s0;
	s14 =	ssub.s32 s24, s7;
	s6 =	sshll.u32 s16, $0x6  }
0xe: {  	s16 =	simm.s32 $0x12200;
	s24 =	simm.s32 $0x6400;
	s13 =	sadd.s32 s10, s0  }
0xf: {  	s7 =	sor.u32 $0x1C02, s6;
	s26 =	sadd.s32 $0xCC00, s11;
	s16 =	simm.s32 @!p0 $0x17200  }
0x10: {  	s9 =	sadd.s32 s1, s10;
	s11 =	smax.u32 s14, $0x1;
	s14 =	sshrl.u32 s17, $0x3  }
0x11: {  	s17 =	simm.s32 $0x64;
	[dreg:$0x6] =	wrdreg s26;
	s0 =	sadd.s32 s16, s0  }
0x12: {  	s10 =	sadd.s32 $0x2800, s13;
	s13 =	sshrl.u32 s15, $0x3;
	s15 =	simm.s32 $0x28A0  }
0x13: {  	s16 =	simm.s32 $0x2;
	s26 =	simm.s32 $0x3;
	s12 =	sadd.s32 s0, s31  }
.LBB2_1:
0x14: {  	s0 =	rddreg [dreg:$0x5]  }
0x15: {  	[spmem:s13], [sflag:s7] =	dma.local [hbm:s0], $0x500  }
0x16: {  	s0 =	rddreg [dreg:$0x6]  }
0x17: {  	[spmem:s14], [sflag:s7] =	dma.local [hbm:s0], $0x4E2  }
0x18: {  	[tilespmem:s4], [sflag:$0x2] =	stream.linear.gather [hbm4b:s9+s4], $0x28A0, $0x38;
	[tilespmem:$0xD250] =	vst v63  }
0x19: {  	_ = 	snop  }
0x1a: {  	[tilespmem:s15], [sflag:$0x2] =	stream.linear.gather [hbm4b:s10+s4], $0x28A0, $0x38;
	[tilespmem:$0xD250] =	vst v63  }
0x1b: {  	_ =	swait.ge [sflag:s16], $0x500  }
0x1c: {  	[sflag:s16] =	ssyncset.done $0x0  }
0x1d: {  	[sflag:s16] =	ssyncadd.s32 $0xFFFFFB00  }
0x1e: {  	_ =	swait.ge [sflag:s16], $0x4E2  }
0x1f: {  	[sflag:s16] =	ssyncset.done $0x0  }
0x20: {  	[sflag:s16] =	ssyncadd.s32 $0xFFFFFB1E  }
0x21: {  	_ =	swait.ge [sflag:s16], $0x28A0  }
0x22: {  	[sflag:s16] =	ssyncset.done $0x0  }
0x23: {  	[sflag:s16] =	ssyncadd.s32 $0xFFFFD760  }
0x24: {  	_ =	swait.ge [sflag:s16], $0x28A0  }
0x25: {  	[sflag:s16] =	ssyncset.done $0x0  }
0x26: {  	[sflag:s16] =	ssyncadd.s32 $0xFFFFD760  }
0x27: {  	[bflag:$0x0] =	sbarrier.arrive $0xFFFF  }
0x28: {  	[tilespmem:s18], [sflag:$0x1] =	stream.indirect.gather [spmem:s3], $0x10, s4, s17, $0xb8;
	[tilespmem:$0xD250] =	vst v63  }
0x29: {  	s5 =	simm.s32 $0x68  }
0x2a: {  	[tilespmem:s20], [sflag:$0x1] =	stream.indirect.gather [spmem:s3], $0x10, s5, s17, $0xb8;
	[tilespmem:$0xD250] =	vst v63  }
0x2b: {  	s8 =	simm.s32 $0xD0  }
0x2c: {  	[tilespmem:s22], [sflag:$0x1] =	stream.indirect.gather [spmem:s3], $0x10, s8, s17, $0xb8;
	[tilespmem:$0xD250] =	vst v63  }
0x2d: {  	s19 =	simm.s32 $0x138  }
0x2e: {  	[tilespmem:s24], [sflag:$0x1] =	stream.indirect.gather [spmem:s3], $0x10, s19, s17, $0xb8;
	[tilespmem:$0xD250] =	vst v63  }
0x2f: {  	s21 =	simm.s32 $0x1A0;
	s1 =	simm.s32 $0x6A40  }
0x30: {  	[tilespmem:s1], [sflag:$0x1] =	stream.indirect.gather [spmem:s3], $0x10, s21, s17, $0xb8;
	[tilespmem:$0xD250] =	vst v63  }
0x31: {  	_ =	swait.ge [sflag:s28], $0x640  }
0x32: {  	[sflag:s28] =	ssyncset.done $0x0  }
0x33: {  	[sflag:s28] =	ssyncadd.s32 $0xFFFFF9C0  }
0x34: {  	[spmem:s2] =	stream.indirect.scatter.add.f32 [tilespmem:s18], [sflag:$0x3], $0x10, s15, s17, $0xb8;
	[tilespmem:$0xD250] =	vst v63  }
0x35: {  	s23 =	simm.s32 $0x208;
	s25 =	simm.s32 $0x7080  }
0x36: {  	[tilespmem:s25], [sflag:$0x1] =	stream.indirect.gather [spmem:s3], $0x10, s23, s17, $0xb8;
	[tilespmem:$0xD250] =	vst v63  }
0x37: {  	_ =	swait.ge [sflag:s28], $0x640  }
0x38: {  	[sflag:s28] =	ssyncset.done $0x0  }
0x39: {  	s1 =	simm.s32 $0x2908;
	[sflag:s28] =	ssyncadd.s32 $0xFFFFF9C0  }
0x3a: {  	[spmem:s2] =	stream.indirect.scatter.add.f32 [tilespmem:s20], [sflag:$0x3], $0x10, s1, s17, $0xb8;
	[tilespmem:$0xD250] =	vst v63  }
0x3b: {  	s5 =	simm.s32 $0x270;
	s8 =	simm.s32 $0x76C0  }
0x3c: {  	[tilespmem:s8], [sflag:$0x1] =	stream.indirect.gather [spmem:s3], $0x10, s5, s17, $0xb8;
	[tilespmem:$0xD250] =	vst v63  }
0x3d: {  	_ =	swait.ge [sflag:s28], $0x640  }
0x3e: {  	p0 =	por $0x0, $0x0;
	[sflag:s28] =	ssyncset.done $0x0  }
0x3f: {  	s0 =	simm.s32 $0x8;
	s19 =	simm.s32 $0x2970;
	[sflag:s28] =	ssyncadd.s32 $0xFFFFF9C0  }
0x40: {  	[spmem:s2] =	stream.indirect.scatter.add.f32 [tilespmem:s22], [sflag:$0x3], $0x10, s19, s17, $0xb8;
	[tilespmem:$0xD250] =	vst v63  }
0x41: {  	s0 =	sand.u32 @!p0 $0x7, s0;
	s21 =	simm.s32 $0x2D8;
	s23 =	simm.s32 $0x7D00  }
0x42: {  	[tilespmem:s23], [sflag:$0x1] =	stream.indirect.gather [spmem:s3], $0x10, s21, s17, $0xb8;
	[tilespmem:$0xD250] =	vst v63  }
0x43: {  	s1 =	smul.u32 @!p0 $0x1900, s0;
	_ =	swait.ge [sflag:s28], $0x640  }
0x44: {  	s31 =	simm.s32 @!p0 $0x64;
	s25 =	simm.s32 $0x29D8;
	[sflag:s28] =	ssyncset.done $0x0  }
0x45: {  	s0 =	simm.s32 $0x2A40;
	s1 =	sshrl.u32 @!p0 s1, $0x2;
	[sflag:s28] =	ssyncadd.s32 $0xFFFFF9C0  }
0x46: {  	[spmem:s2] =	stream.indirect.scatter.add.f32 [tilespmem:s24], [sflag:$0x3], $0x10, s25, s17, $0xb8;
	[tilespmem:$0xD250] =	vst v63  }
0x47: {  	s1 =	sadd.s32 @!p0 $0x5140, s1;
	s19 =	simm.s32 $0x9;
	_ =	swait.ge [sflag:s26], $0x640  }
0x48: {  	s23 =	simm.s32 $0x340;
	s25 =	simm.s32 $0x4;
	[sflag:s26] =	ssyncset.done $0x0  }
0x49: {  	s21 =	simm.s32 $0xA;
	s25 =	sand.u32 $0x7, s25;
	[sflag:s26] =	ssyncadd.s32 $0xFFFFF9C0  }
0x4a: {  	[tilespmem:s1], [sflag:$0x1] =	stream.indirect.gather @!p0 [spmem:s3], $0x10, s23, s31, $0xb8;
	[tilespmem:$0xD250] =	vst v63  }
0x4b: {  	s25 =	smul.u32 $0x1900, s25;
	s1 =	simm.s32 $0x3A8;
	_ =	swait.ge [sflag:s28], $0x640  }
0x4c: {  	s23 =	simm.s32 $0x5;
	s31 =	simm.s32 $0x2AA8;
	[sflag:s28] =	ssyncset.done $0x0  }
.LBB2_2:
0x4d: {  	p1 =	sgt.u32 s23, $0x5F  }
0x4e: {  	s25 =	sshrl.u32 s25, $0x2;
	s5 =	smov.u32 s21;
	s21 =	sadd.s32 $0x1, s21  }
0x4f: {  	p0 =	sne.s32 s21, $0x68;
	s19 =	sand.u32 @!p1 $0x7, s19;
	s25 =	sadd.s32 $0x5140, s25  }
0x50: {  	s8 =	smul.u32 @!p1 $0x1900, s19;
	[sflag:s28] =	ssyncadd.s32 $0xFFFFF9C0;
	s19 =	smov.u32 s5  }
0x51: {  	[spmem:s2] =	stream.indirect.scatter.add.f32 [tilespmem:s25], [sflag:$0x3], $0x10, s0, s17, $0xb8;
	[tilespmem:$0xD250] =	vst v63  }
0x52: {  	s0 =	smov.u32 s31;
	_ =	swait.ge [sflag:s26], $0x640;
	s5 =	sshrl.u32 @!p1 s8, $0x2  }
.Ltmp0:
0x53: {  	[sflag:s26] =	ssyncset.done $0x0;
	s5 =	sadd.s32 @!p1 $0x5140, s5;
	(pc) =	sbr.rel @p0 .LBB2_2-.Ltmp0, $4  }
0x54: {  	s23 =	sand.u32 $0x7, s23;
	s8 =	simm.s32 @!p1 $0x64;
	[sflag:s26] =	ssyncadd.s32 $0xFFFFF9C0  }
0x55: {  	[tilespmem:s5], [sflag:$0x1] =	stream.indirect.gather @!p1 [spmem:s3], $0x10, s1, s8, $0xb8;
	[tilespmem:$0xD250] =	vst v63  }
0x56: {  	s25 =	smul.u32 $0x1900, s23;
	s1 =	sadd.s32 $0x68, s1;
	_ =	swait.ge [sflag:s28], $0x640  }
0x57: {  	s23 =	sadd.s32 $0xFFFFFFFC, s19;
	s31 =	sadd.s32 $0x68, s31;
	[sflag:s28] =	ssyncset.done $0x0  }
0x58: {  	p0 =	sgt.u32 s23, $0x5F  }
0x59: {  	s5 =	sshrl.u32 s25, $0x2;
	s8 =	sand.u32 @!p0 $0x7, s19  }
0x5a: {  	[sflag:s28] =	ssyncadd.s32 $0xFFFFF9C0;
	s5 =	sadd.s32 $0x5140, s5;
	s8 =	smul.u32 @!p0 $0x1900, s8  }
0x5b: {  	[spmem:s2] =	stream.indirect.scatter.add.f32 [tilespmem:s5], [sflag:$0x3], $0x10, s0, s17, $0xb8;
	[tilespmem:$0xD250] =	vst v63  }
0x5c: {  	s23 =	sand.u32 $0x7, s23;
	_ =	swait.ge [sflag:s26], $0x640  }
0x5d: {  	s25 =	smul.u32 $0x1900, s23;
	s0 =	sshrl.u32 @!p0 s8, $0x2;
	[sflag:s26] =	ssyncset.done $0x0  }
0x5e: {  	s5 =	simm.s32 @!p0 $0x64;
	s0 =	sadd.s32 @!p0 $0x5140, s0;
	[sflag:s26] =	ssyncadd.s32 $0xFFFFF9C0  }
0x5f: {  	[tilespmem:s0], [sflag:$0x1] =	stream.indirect.gather @!p0 [spmem:s3], $0x10, s1, s5, $0xb8;
	[tilespmem:$0xD250] =	vst v63  }
0x60: {  	_ =	swait.ge [sflag:s28], $0x640  }
0x61: {  	s0 =	sshrl.u32 s25, $0x2;
	[sflag:s28] =	ssyncset.done $0x0  }
0x62: {  	s0 =	sadd.s32 $0x5140, s0;
	[sflag:s28] =	ssyncadd.s32 $0xFFFFF9C0  }
0x63: {  	[spmem:s2] =	stream.indirect.scatter.add.f32 [tilespmem:s0], [sflag:$0x3], $0x10, s31, s17, $0xb8;
	[tilespmem:$0xD250] =	vst v63  }
0x64: {  	_ =	swait.ge [sflag:s26], $0x640  }
0x65: {  	[sflag:s26] =	ssyncset.done $0x0  }
0x66: {  	[sflag:s26] =	ssyncadd.s32 $0xFFFFF9C0  }
0x67: {  	_ =	swait.ge [sflag:s26], $0x640  }
0x68: {  	[sflag:s26] =	ssyncset.done $0x0  }
0x69: {  	[sflag:s26] =	ssyncadd.s32 $0xFFFFF9C0  }
0x6a: {  	_ =	swait.ge [sflag:s26], $0x640  }
0x6b: {  	[sflag:s26] =	ssyncset.done $0x0  }
0x6c: {  	[sflag:s26] =	ssyncadd.s32 $0xFFFFF9C0  }
0x6d: {  	_ =	swait.ge [sflag:s26], $0x640  }
0x6e: {  	s30 =	sadd.s32 $0x1, s30;
	[sflag:s26] =	ssyncset.done $0x0  }
0x6f: {  	p0 =	sne.s32 s30, s11;
	[sflag:s26] =	ssyncadd.s32 $0xFFFFF9C0  }
.Ltmp1:
0x70: {  	s31 =	sor.u32 $0x1C04, s6;
	[bflag:$0x0] =	sbarrier.arrive $0xFFFF;
	(pc) =	sbr.rel @p0 .LBB2_1-.Ltmp1, $4  }
0x71: {  	[hbm:s12], [sflag:s31] =	dma.local [spmem:s13], $0x500  }
0x72: {  	_ =	swait.ge [sflag:s29], $0x500  }
0x73: {  	[sflag:s29] =	ssyncset.done $0x0  }
0x74: {  	[sflag:s29] =	ssyncadd.s32 $0xFFFFFB00  }
0x75: {  	_ =	sfence.sel $0x180000  }
0x76: {  	[bflag:$0x0] =	sbarrier.arrive $0xFFFF  }
0x77: {  	_ =	strace $0x9000004A  }
0x78: {  	s0 =	stileid.u32;
	[bflag:$0x2] =	sbarrier.arrive $0xFFFF  }
0x79: {  	p0 =	sne.s32 s0, $0x0;
	s0 =	rddreg [dreg:$0x4]  }
0x7a: {  	s0 =	sadd.s32 @!p0 $0x100000, s0  }
0x7b: {  	[sflag:s0] =	ssyncadd.tile.s32 @!p0 $0x1;
	_ =	shalt  }
.Lfunc_end2:
_tile_overlayer_lowered:
.L_overlay_start_2:
0x7c: {  	(tag) =	ssettag $0x2  }
0x7d: {  	s0 =	rddreg [dreg:$0x0];
	s2 =	stileid.u32  }
0x7e: {  	s1 =	rddreg [dreg:$0x1];
	p0 =	sne.s32 s2, $0x0  }
0x7f: {  	s3 =	rddreg [dreg:$0x2];
	[bflag:$0x3] =	sbarrier.arrive $0xFFFF;
	s2 =	simm.s32 @!p0 $0x1C04  }
0x80: {  	[timem:s3], [sflag:s2] =	dma.local @!p0 [hbm:s0], s1  }
0x81: {  	s0 =	simm.s32 @!p0 $0x4  }
0x82: {  	_ =	swait.ge @!p0 [sflag:s0], s1  }
0x83: {  	s1 =	ssub.s32 @!p0 $0x0, s1;
	[sflag:s0] =	ssyncset.done @!p0 $0x0  }
0x84: {  	[sflag:s0] =	ssyncadd.s32 @!p0 s1  }
0x85: {  	[bflag:$0x3] =	sbarrier.arrive $0xFFFF  }
0x86: {  	_ =	shalt  }

// kernel: kernel.7.cloned.1.call-start
scs
__scs_entry_jumppad:
0x0: {  	(pc) =	sbr.rel $0x88, $3  }
0x1: {  	(tag) =	ssettag $0x0;
	lr =	simm.s32 $0x1  }
0x2: {  	[smem:$0x3F95] =	sst lr;
	_ =	strace $0xD0000000  }
0x3: {  	_ = 	snop  }
0x4: {  	_ = 	snop  }
0x5: {  	_ = 	snop  }
0x6: {  	_ = 	snop  }
0x7: {  	_ = 	snop  }
__scs_overlays_trampoline_lowered:
0x8: {  	[smem:$0x3FA4] =	sst s0  }
0x9: {  	[smem:$0x3FA5] =	sst s1  }
0xa: {  	[smem:$0x3FA6] =	sst s2  }
0xb: {  	[smem:$0x3FA7] =	sst s3  }
0xc: {  	[smem:$0x3FA8] =	sst s4  }
0xd: {  	[smem:$0x3FA9] =	sst s5  }
0xe: {  	[smem:$0x3FAA] =	sst s6  }
0xf: {  	[smem:$0x3FAB] =	sst s7  }
0x10: {  	[smem:$0x3FAC] =	sst s8  }
0x11: {  	[smem:$0x3FAD] =	sst s9;
	s0 =	simm.s32 @!p0 $0x0  }
0x12: {  	s1 =	sld [smem:$0x3F93];
	s0 =	simm.s32 @p0 $0x1  }
0x13: {  	[smem:$0x3FAE] =	sst s0;
	s0 =	simm.s32 @!p1 $0x0  }
0x14: {  	s2 =	sld [smem:$0x3F92];
	s0 =	simm.s32 @p1 $0x1  }
0x15: {  	[smem:$0x3FAF] =	sst s0;
	s0 =	simm.s32 @!p2 $0x0  }
0x16: {  	s3 =	sld [smem:$0x3FDB];
	s0 =	simm.s32 @p2 $0x1  }
0x17: {  	s4 =	simm.s32 $0x1BF5;
	[smem:$0x3FB1] =	sst s0  }
0x18: {  	s0 =	sld [smem:$0x3F94];
	_ =	swait.ge [sflag:s4], $0x0  }
0x19: {  	s7 =	sld [smem:$0x3F95]  }
0x1a: {  	s8 =	sadd.s32 $0xFFFFE003, lr  }
0x1b: {  	s9 =	sadd.s32 $0xFFFFFEF7, lr;
	s5 =	simm.s32 $0xFFFFFFFF;
	p2 =	slt.u32 s8, $0xFFFFF086  }
0x1c: {  	p1 =	slt.u32 s9, $0xF7A;
	s5 =	simm.s32 @!p2 $0x0  }
0x1d: {  	s5 =	simm.s32 @p1 $0x1;
	p0 =	seq.s32 s7, s2  }
0x1e: {  	s7 =	smul.u32 @!p0 $0xF7A, s2;
	p2 =	seq.s32 @!p0 s5, $0x0  }
0x1f: {  	s9 =	smul.u32 $0xF7A, s1;
	s8 =	simm.s32 @!p0 $0x1BF5;
	p2 =	por !p2, p0  }
0x20: {  	[sflag:s8] =	ssyncset.s32 @!p0 $0xFFFFF086;
	s6 =	sadd.s32 @!p0 s3, s7;
	s7 =	simm.s32 @!p0 $0x108  }
0x21: {  	s3 =	sadd.s32 s3, s9;
	s6 =	sadd.s32 @!p0 $0x88, s6;
	s7 =	simm.s32 @p2 $0x1082  }
0x22: {  	[simem:s7], [sflag:s8] =	dma.local @!p0 [hbm:s6], $0xF7A  }
0x23: {  	s9 =	sor.u32 $0xD0000000, s2;
	s6 =	simm.s32 $0x108;
	_ =	swait.ge @!p0 [sflag:s8], $0x0  }
0x24: {  	s3 =	sadd.s32 $0x88, s3;
	s6 =	simm.s32 @!p1 $0x1082;
	[sflag:s4] =	ssyncset.s32 $0xFFFFF086  }
0x25: {  	[simem:s6], [sflag:s4] =	dma.local [hbm:s3], $0xF7A  }
0x26: {  	[smem:$0x3F95] =	sst s1;
	(tag) =	ssettag s2;
	_ =	strace s9  }
0x27: {  	s1 =	sld [smem:$0x3FA5]  }
0x28: {  	s2 =	sld [smem:$0x3FA6]  }
0x29: {  	s4 =	sld [smem:$0x3FA8]  }
0x2a: {  	p0 =	seq.s32 s5, $0x0;
	s5 =	sld [smem:$0x3FA9]  }
0x2b: {  	s6 =	sld [smem:$0x3FAA]  }
0x2c: {  	s7 =	sld [smem:$0x3FAB]  }
0x2d: {  	s3 =	simm.s32 $0x108;
	s8 =	sld [smem:$0x3FAC]  }
0x2e: {  	s3 =	simm.s32 @!p0 $0x1082;
	s9 =	sld [smem:$0x3FAD]  }
0x2f: {  	lr =	sadd.s32 s0, s3;
	s0 =	sld [smem:$0x3FA4]  }
0x30: {  	s3 =	sld [smem:$0x3FA7]  }
0x31: {  	[smem:$0x3FB0] =	sst s10  }
0x32: {  	s10 =	sld [smem:$0x3FAE];
	_ =	sdelay $0x3  }
0x33: {  	p0 =	seq.s32 s10, $0x1;
	s10 =	sld [smem:$0x3FB0];
	_ =	sdelay $0x3  }
0x34: {  	[smem:$0x3FB0] =	sst s10  }
0x35: {  	s10 =	sld [smem:$0x3FAF];
	_ =	sdelay $0x3  }
0x36: {  	p1 =	seq.s32 s10, $0x1;
	s10 =	sld [smem:$0x3FB0];
	_ =	sdelay $0x3  }
0x37: {  	[smem:$0x3FB0] =	sst s10  }
0x38: {  	s10 =	sld [smem:$0x3FB1]  }
0x39: {  	_ = 	snop;
	(pc) =	sbr.ind lr, $3  }
0x3a: {  	_ = 	snop  }
0x3b: {  	_ = 	snop  }
0x3c: {  	p2 =	seq.s32 s10, $0x1;
	s10 =	sld [smem:$0x3FB0]  }
0x3d: {  	_ =	shalt  }
0x3e: {  	_ =	shalt  }
0x3f: {  	_ =	shalt  }
0x40: {  	_ =	shalt  }
0x41: {  	_ =	shalt  }
0x42: {  	_ =	shalt  }
0x43: {  	_ =	shalt  }
0x44: {  	_ =	shalt  }
0x45: {  	_ =	shalt  }
0x46: {  	_ =	shalt  }
0x47: {  	_ =	shalt  }
0x48: {  	_ =	shalt  }
0x49: {  	_ =	shalt  }
0x4a: {  	_ =	shalt  }
0x4b: {  	_ =	shalt  }
0x4c: {  	_ =	shalt  }
0x4d: {  	_ =	shalt  }
0x4e: {  	_ =	shalt  }
0x4f: {  	_ =	shalt  }
0x50: {  	_ =	shalt  }
0x51: {  	_ =	shalt  }
0x52: {  	_ =	shalt  }
0x53: {  	_ =	shalt  }
0x54: {  	_ =	shalt  }
0x55: {  	_ =	shalt  }
0x56: {  	_ =	shalt  }
0x57: {  	_ =	shalt  }
0x58: {  	_ =	shalt  }
0x59: {  	_ =	shalt  }
0x5a: {  	_ =	shalt  }
0x5b: {  	_ =	shalt  }
0x5c: {  	_ =	shalt  }
0x5d: {  	_ =	shalt  }
0x5e: {  	_ =	shalt  }
0x5f: {  	_ =	shalt  }
0x60: {  	_ =	shalt  }
0x61: {  	_ =	shalt  }
0x62: {  	_ =	shalt  }
0x63: {  	_ =	shalt  }
0x64: {  	_ =	shalt  }
0x65: {  	_ =	shalt  }
0x66: {  	_ =	shalt  }
0x67: {  	_ =	shalt  }
0x68: {  	_ =	shalt  }
0x69: {  	_ =	shalt  }
0x6a: {  	_ =	shalt  }
0x6b: {  	_ =	shalt  }
0x6c: {  	_ =	shalt  }
0x6d: {  	_ =	shalt  }
0x6e: {  	_ =	shalt  }
0x6f: {  	_ =	shalt  }
0x70: {  	_ =	shalt  }
0x71: {  	_ =	shalt  }
0x72: {  	_ =	shalt  }
0x73: {  	_ =	shalt  }
0x74: {  	_ =	shalt  }
0x75: {  	_ =	shalt  }
0x76: {  	_ =	shalt  }
0x77: {  	_ =	shalt  }
0x78: {  	_ =	shalt  }
0x79: {  	_ =	shalt  }
0x7a: {  	_ =	shalt  }
0x7b: {  	_ =	shalt  }
0x7c: {  	_ =	shalt  }
0x7d: {  	_ =	shalt  }
0x7e: {  	_ =	shalt  }
0x7f: {  	_ =	shalt  }
0x80: {  	_ =	shalt  }
0x81: {  	_ =	shalt  }
0x82: {  	_ =	shalt  }
0x83: {  	_ =	shalt  }
0x84: {  	_ =	shalt  }
0x85: {  	_ =	shalt  }
0x86: {  	_ =	shalt  }
0x87: {  	_ =	shalt  }
.Lfunc_end0:
.L_simem_size_0:
called_computation_lowered:
.L_overlay_start_0:
0x88: {  	s2 =	sld [smem:$0x3FD9]  }
0x89: {  	s3 =	sld [smem:$0x3FFE];
	_ =	sdelay $0x1  }
0x8a: {  	s1 =	srdreg.scid  }
0x8b: {  	s0 =	sand.u32 $0x1, s1  }
0x8c: {  	s17 =	sshll.u32 s0, $0xA;
	s2 =	sadd.s32 s3, s2  }
0x8d: {  	s2 =	sadd.s32 s2, s17  }
0x8e: {  	[smem:$0x3FBC] =	sst s2  }
0x8f: {  	_ = 	snop  }
0x90: {  	s2 =	sld [smem:$0x3FD0];
	(tm) =	ssettm $0x1  }
0x91: {  	s18 =	sld [smem:$0x3FFB];
	_ =	sdelay $0x3  }
0x92: {  	_ =	strace s18  }
0x93: {  	s3 =	sld [smem:$0x3FFC];
	_ =	sdelay $0x3  }
0x94: {  	_ =	strace s3  }
0x95: {  	s3 =	sld [smem:$0x3FFD];
	_ =	sdelay $0x3  }
0x96: {  	_ =	strace s3  }
0x97: {  	_ =	strace $0x8FFFFFFF  }
0x98: {  	s19 =	sld [smem:$0x3FDB];
	_ =	sdelay $0x1  }
0x99: {  	s4 =	simm.s32 $_scs_section_size  }
0x9a: {  	s5 =	simm.s32 $_size__tile_overlayer_lowered;
	s6 =	simm.s32 $_tile_overlayer_lowered  }
0x9b: {  	s22 =	simm.s32 $0x1BFF;
	s21 =	sshll.u32 s6, $0x1;
	s3 =	sadd.s32 s4, s19  }
0x9c: {  	s7 =	simm.s32 $0x0;
	s20 =	sshll.u32 s5, $0x1;
	s5 =	sadd.s32 s21, s3  }
0x9d: {  	[timem:s7], [sflag:s22] =	dma.local [hbm:s5], s20  }
0x9e: {  	_ =	swait.ge [sflag:s22], s20  }
0x9f: {  	s4 =	ssub.s32 $0x0, s20;
	[sflag:s22] =	ssyncset.done $0x0  }
0xa0: {  	[sflag:s22] =	ssyncadd.s32 s4;
	_ =	sdelay $0x1  }
0xa1: {  	s23 =	simm.s32 $0x1B8B  }
0xa2: {  	_ =	swait.ge [sflag:s23], $0x1  }
0xa3: {  	[sflag:s23] =	ssyncset.done $0x0  }
0xa4: {  	s25 =	simm.s32 $0x1B8E;
	s24 =	sld [smem:$0x3FFE];
	[sflag:s23] =	ssyncadd.s32 $0xFFFFFFFF  }
0xa5: {  	s26 =	simm.s32 $execute0_lowered;
	[smem:$0x3FD2] =	sst s25  }
0xa6: {  	s5 =	sshll.u32 s26, $0x1;
	_ =	strace $0x80000046;
	[dreg:$0x1] =	wrdreg $0xFFFFFFFF  }
0xa7: {  	s28 =	simm.s32 $_size_execute0_lowered;
	s3 =	sadd.s32 s3, s5;
	[dreg:$0x0] =	wrdreg $0x0  }
0xa8: {  	s5 =	sshll.u32 s28, $0x1;
	[dreg:$0x2] =	wrdreg s3  }
0xa9: {  	[dreg:$0x3] =	wrdreg s5  }
0xaa: {  	[dreg:$0x4] =	wrdreg $0xC0  }
0xab: {  	_ =	task [dreg:s7], $0x5FFFF  }
0xac: {  	[dreg:$0x1] =	wrdreg $0xFFFFFFFF  }
0xad: {  	[dreg:$0x0] =	wrdreg $0x60  }
0xae: {  	[dreg:$0x2] =	wrdreg s24  }
0xaf: {  	[dreg:$0x3] =	wrdreg s2  }
0xb0: {  	[dreg:$0x4] =	wrdreg $0xB5400  }
0xb1: {  	[dreg:$0x5] =	wrdreg $0x105400  }
0xb2: {  	[dreg:$0x6] =	wrdreg $0x9  }
0xb3: {  	_ =	task.clear_ibuf [dreg:s7], $0x7FFFF;
	_ =	strace $0x90000046  }
0xb4: {  	s29 =	simm.s32 $0x9;
	_ =	strace $0x80000048  }
0xb5: {  	_ =	swait.ge [sflag:s29], $0x1  }
0xb6: {  	[sflag:s29] =	ssyncadd.s32 $0xFFFFFFFF  }
0xb7: {  	_ =	strace $0x90000048  }
0xb8: {  	_ =	sfence  }
0xb9: {  	s30 =	sld [smem:$0x0];
	_ =	sdelay $0x2  }
0xba: {  	s31 =	sshll.u32 s1, $0xD;
	s1 =	sshrl.u32 s1, $0x2  }
0xbb: {  	s3 =	sand.u32 $0x4000, s31;
	s1 =	sadd.s32 s1, s30  }
0xbc: {  	s0 =	sor.u32 s3, s0;
	s1 =	sshll.u32 s1, $0x11  }
0xbd: {  	s0 =	sor.u32 s1, s0  }
0xbe: {  	s0 =	sadd.s32 $0x8F2B, s0  }
0xbf: {  	[sflag:s0] =	ssyncadd.remote.s32 $0x1  }
0xc0: {  	_ =	sfence.sel $0xFFFF  }
0xc1: {  	[dreg:$0x0] =	wrdreg $0xFFFFFFFF;
	(pc) =	sbr.abs _section_cstart, $3  }
0xc2: {  	[dreg:$0x1] =	wrdreg $0xFFFFFFFF  }
0xc3: {  	_ =	task.clear_ibuf [dreg:s7], $0x2FFFF;
	_ =	strace $0x9FFFFFFF  }
0xc4: {  	(tm) =	ssettm $0x7FFFFFFF  }
0xc5: {  	_ =	shalt  }
tec
execute0_lowered:
.L_overlay_start_1:
0x0: {  	(tag) =	ssettag $0x1  }
0x1: {  	s0 =	rddreg [dreg:$0x0]  }
0x2: {  	s1 =	rddreg [dreg:$0x1]  }
0x3: {  	s2 =	rddreg [dreg:$0x2]  }
0x4: {  	s3 =	rddreg [dreg:$0x3];
	s4 =	simm.s32 $0x0;
	s16 =	stileid.u32  }
0x5: {  	s5 =	srdreg.scid;
	s18 =	simm.s32 $0x5140;
	s20 =	simm.s32 $0x5DC0  }
0x6: {  	s22 =	simm.s32 $0x6A40;
	s28 =	simm.s32 $0x1;
	s29 =	simm.s32 $0x4  }
0x7: {  	s30 =	simm.s32 $0x0;
	s8 =	smul.u32 $0x4E20, s16;
	s9 =	sand.u32 $0x1, s5  }
0x8: {  	s23 =	sshll.u32 s16, $0x1;
	[smem:$0x7FF] =	sst s4;
	s12 =	smul.u32 $0x5000, s16  }
0x9: {  	s25 =	sadd.s32 $0x16A00, s0;
	s5 =	sor.u32 s9, s23;
	_ =	strace $0x80000047  }
0xa: {  	s24 =	ssub.s32 $0x2, s9;
	[dreg:$0x5] =	wrdreg s25;
	p0 =	seq.s32 s9, $0x1  }
0xb: {  	s6 =	sshrl.u32 s8, $0x3;
	s10 =	smul.u32 $0x514, s5;
	s7 =	sshrl.u32 s24, $0x1  }
0xc: {  	s15 =	sadd.s32 s12, s2;
	s17 =	sadd.s32 s8, s3;
	s31 =	sshrl.u32 s12, $0x3  }
0xd: {  	s11 =	sadd.s32 s6, s0;
	s14 =	ssub.s32 s24, s7;
	s6 =	sshll.u32 s16, $0x6  }
0xe: {  	s16 =	simm.s32 $0x17400;
	s24 =	simm.s32 $0x76C0;
	s13 =	sadd.s32 s10, s0  }
0xf: {  	s7 =	sor.u32 $0x1C02, s6;
	s26 =	sadd.s32 $0xCC00, s11;
	s16 =	simm.s32 @!p0 $0x21400  }
0x10: {  	s9 =	sadd.s32 s1, s10;
	s11 =	smax.u32 s14, $0x1;
	s14 =	sshrl.u32 s17, $0x3  }
0x11: {  	s17 =	simm.s32 $0x64;
	[dreg:$0x6] =	wrdreg s26;
	s0 =	sadd.s32 s16, s0  }
0x12: {  	s10 =	sadd.s32 $0x2800, s13;
	s13 =	sshrl.u32 s15, $0x3;
	s15 =	simm.s32 $0x28A0  }
0x13: {  	s16 =	simm.s32 $0x2;
	s26 =	simm.s32 $0x3;
	s12 =	sadd.s32 s0, s31  }
.LBB2_1:
0x14: {  	s0 =	rddreg [dreg:$0x5]  }
0x15: {  	[spmem:s13], [sflag:s7] =	dma.local [hbm:s0], $0xA00  }
0x16: {  	s0 =	rddreg [dreg:$0x6]  }
0x17: {  	[spmem:s14], [sflag:s7] =	dma.local [hbm:s0], $0x9C4  }
0x18: {  	[tilespmem:s4], [sflag:$0x2] =	stream.linear.gather [hbm4b:s9+s4], $0x28A0, $0x38;
	[tilespmem:$0x15360] =	vst v63  }
0x19: {  	_ = 	snop  }
0x1a: {  	[tilespmem:s15], [sflag:$0x2] =	stream.linear.gather [hbm4b:s10+s4], $0x28A0, $0x38;
	[tilespmem:$0x15360] =	vst v63  }
0x1b: {  	_ =	swait.ge [sflag:s16], $0xA00  }
0x1c: {  	[sflag:s16] =	ssyncset.done $0x0  }
0x1d: {  	[sflag:s16] =	ssyncadd.s32 $0xFFFFF600  }
0x1e: {  	_ =	swait.ge [sflag:s16], $0x9C4  }
0x1f: {  	[sflag:s16] =	ssyncset.done $0x0  }
0x20: {  	[sflag:s16] =	ssyncadd.s32 $0xFFFFF63C  }
0x21: {  	_ =	swait.ge [sflag:s16], $0x28A0  }
0x22: {  	[sflag:s16] =	ssyncset.done $0x0  }
0x23: {  	[sflag:s16] =	ssyncadd.s32 $0xFFFFD760  }
0x24: {  	_ =	swait.ge [sflag:s16], $0x28A0  }
0x25: {  	[sflag:s16] =	ssyncset.done $0x0  }
0x26: {  	[sflag:s16] =	ssyncadd.s32 $0xFFFFD760  }
0x27: {  	[bflag:$0x0] =	sbarrier.arrive $0xFFFF  }
0x28: {  	[tilespmem:s18], [sflag:$0x1] =	stream.indirect.gather [spmem:s3], $0x20, s4, s17, $0xb8;
	[tilespmem:$0x15360] =	vst v63  }
0x29: {  	s5 =	simm.s32 $0x68  }
0x2a: {  	[tilespmem:s20], [sflag:$0x1] =	stream.indirect.gather [spmem:s3], $0x20, s5, s17, $0xb8;
	[tilespmem:$0x15360] =	vst v63  }
0x2b: {  	s8 =	simm.s32 $0xD0  }
0x2c: {  	[tilespmem:s22], [sflag:$0x1] =	stream.indirect.gather [spmem:s3], $0x20, s8, s17, $0xb8;
	[tilespmem:$0x15360] =	vst v63  }
0x2d: {  	s19 =	simm.s32 $0x138  }
0x2e: {  	[tilespmem:s24], [sflag:$0x1] =	stream.indirect.gather [spmem:s3], $0x20, s19, s17, $0xb8;
	[tilespmem:$0x15360] =	vst v63  }
0x2f: {  	s21 =	simm.s32 $0x1A0;
	s1 =	simm.s32 $0x8340  }
0x30: {  	[tilespmem:s1], [sflag:$0x1] =	stream.indirect.gather [spmem:s3], $0x20, s21, s17, $0xb8;
	[tilespmem:$0x15360] =	vst v63  }
0x31: {  	_ =	swait.ge [sflag:s28], $0xC80  }
0x32: {  	[sflag:s28] =	ssyncset.done $0x0  }
0x33: {  	[sflag:s28] =	ssyncadd.s32 $0xFFFFF380  }
0x34: {  	[spmem:s2] =	stream.indirect.scatter.add.f32 [tilespmem:s18], [sflag:$0x3], $0x20, s15, s17, $0xb8;
	[tilespmem:$0x15360] =	vst v63  }
0x35: {  	s23 =	simm.s32 $0x208;
	s25 =	simm.s32 $0x8FC0  }
0x36: {  	[tilespmem:s25], [sflag:$0x1] =	stream.indirect.gather [spmem:s3], $0x20, s23, s17, $0xb8;
	[tilespmem:$0x15360] =	vst v63  }
0x37: {  	_ =	swait.ge [sflag:s28], $0xC80  }
0x38: {  	[sflag:s28] =	ssyncset.done $0x0  }
0x39: {  	s1 =	simm.s32 $0x2908;
	[sflag:s28] =	ssyncadd.s32 $0xFFFFF380  }
0x3a: {  	[spmem:s2] =	stream.indirect.scatter.add.f32 [tilespmem:s20], [sflag:$0x3], $0x20, s1, s17, $0xb8;
	[tilespmem:$0x15360] =	vst v63  }
0x3b: {  	s5 =	simm.s32 $0x270;
	s8 =	simm.s32 $0x9C40  }
0x3c: {  	[tilespmem:s8], [sflag:$0x1] =	stream.indirect.gather [spmem:s3], $0x20, s5, s17, $0xb8;
	[tilespmem:$0x15360] =	vst v63  }
0x3d: {  	_ =	swait.ge [sflag:s28], $0xC80  }
0x3e: {  	p0 =	por $0x0, $0x0;
	[sflag:s28] =	ssyncset.done $0x0  }
0x3f: {  	s0 =	simm.s32 $0x8;
	s19 =	simm.s32 $0x2970;
	[sflag:s28] =	ssyncadd.s32 $0xFFFFF380  }
0x40: {  	[spmem:s2] =	stream.indirect.scatter.add.f32 [tilespmem:s22], [sflag:$0x3], $0x20, s19, s17, $0xb8;
	[tilespmem:$0x15360] =	vst v63  }
0x41: {  	s0 =	sand.u32 @!p0 $0x7, s0;
	s21 =	simm.s32 $0x2D8;
	s23 =	simm.s32 $0xA8C0  }
0x42: {  	[tilespmem:s23], [sflag:$0x1] =	stream.indirect.gather [spmem:s3], $0x20, s21, s17, $0xb8;
	[tilespmem:$0x15360] =	vst v63  }
0x43: {  	s1 =	smul.u32 @!p0 $0x3200, s0;
	_ =	swait.ge [sflag:s28], $0xC80  }
0x44: {  	s31 =	simm.s32 @!p0 $0x64;
	s25 =	simm.s32 $0x29D8;
	[sflag:s28] =	ssyncset.done $0x0  }
0x45: {  	s0 =	simm.s32 $0x2A40;
	s1 =	sshrl.u32 @!p0 s1, $0x2;
	[sflag:s28] =	ssyncadd.s32 $0xFFFFF380  }
0x46: {  	[spmem:s2] =	stream.indirect.scatter.add.f32 [tilespmem:s24], [sflag:$0x3], $0x20, s25, s17, $0xb8;
	[tilespmem:$0x15360] =	vst v63  }
0x47: {  	s1 =	sadd.s32 @!p0 $0x5140, s1;
	s19 =	simm.s32 $0x9;
	_ =	swait.ge [sflag:s26], $0xC80  }
0x48: {  	s23 =	simm.s32 $0x340;
	s25 =	simm.s32 $0x4;
	[sflag:s26] =	ssyncset.done $0x0  }
0x49: {  	s21 =	simm.s32 $0xA;
	s25 =	sand.u32 $0x7, s25;
	[sflag:s26] =	ssyncadd.s32 $0xFFFFF380  }
0x4a: {  	[tilespmem:s1], [sflag:$0x1] =	stream.indirect.gather @!p0 [spmem:s3], $0x20, s23, s31, $0xb8;
	[tilespmem:$0x15360] =	vst v63  }
0x4b: {  	s25 =	smul.u32 $0x3200, s25;
	s1 =	simm.s32 $0x3A8;
	_ =	swait.ge [sflag:s28], $0xC80  }
0x4c: {  	s23 =	simm.s32 $0x5;
	s31 =	simm.s32 $0x2AA8;
	[sflag:s28] =	ssyncset.done $0x0  }
.LBB2_2:
0x4d: {  	p1 =	sgt.u32 s23, $0x5F  }
0x4e: {  	s25 =	sshrl.u32 s25, $0x2;
	s5 =	smov.u32 s21;
	s21 =	sadd.s32 $0x1, s21  }
0x4f: {  	p0 =	sne.s32 s21, $0x68;
	s19 =	sand.u32 @!p1 $0x7, s19;
	s25 =	sadd.s32 $0x5140, s25  }
0x50: {  	s8 =	smul.u32 @!p1 $0x3200, s19;
	[sflag:s28] =	ssyncadd.s32 $0xFFFFF380;
	s19 =	smov.u32 s5  }
0x51: {  	[spmem:s2] =	stream.indirect.scatter.add.f32 [tilespmem:s25], [sflag:$0x3], $0x20, s0, s17, $0xb8;
	[tilespmem:$0x15360] =	vst v63  }
0x52: {  	s0 =	smov.u32 s31;
	_ =	swait.ge [sflag:s26], $0xC80;
	s5 =	sshrl.u32 @!p1 s8, $0x2  }
.Ltmp0:
0x53: {  	[sflag:s26] =	ssyncset.done $0x0;
	s5 =	sadd.s32 @!p1 $0x5140, s5;
	(pc) =	sbr.rel @p0 .LBB2_2-.Ltmp0, $4  }
0x54: {  	s23 =	sand.u32 $0x7, s23;
	s8 =	simm.s32 @!p1 $0x64;
	[sflag:s26] =	ssyncadd.s32 $0xFFFFF380  }
0x55: {  	[tilespmem:s5], [sflag:$0x1] =	stream.indirect.gather @!p1 [spmem:s3], $0x20, s1, s8, $0xb8;
	[tilespmem:$0x15360] =	vst v63  }
0x56: {  	s25 =	smul.u32 $0x3200, s23;
	s1 =	sadd.s32 $0x68, s1;
	_ =	swait.ge [sflag:s28], $0xC80  }
0x57: {  	s23 =	sadd.s32 $0xFFFFFFFC, s19;
	s31 =	sadd.s32 $0x68, s31;
	[sflag:s28] =	ssyncset.done $0x0  }
0x58: {  	p0 =	sgt.u32 s23, $0x5F  }
0x59: {  	s5 =	sshrl.u32 s25, $0x2;
	s8 =	sand.u32 @!p0 $0x7, s19  }
0x5a: {  	[sflag:s28] =	ssyncadd.s32 $0xFFFFF380;
	s5 =	sadd.s32 $0x5140, s5;
	s8 =	smul.u32 @!p0 $0x3200, s8  }
0x5b: {  	[spmem:s2] =	stream.indirect.scatter.add.f32 [tilespmem:s5], [sflag:$0x3], $0x20, s0, s17, $0xb8;
	[tilespmem:$0x15360] =	vst v63  }
0x5c: {  	s23 =	sand.u32 $0x7, s23;
	_ =	swait.ge [sflag:s26], $0xC80  }
0x5d: {  	s25 =	smul.u32 $0x3200, s23;
	s0 =	sshrl.u32 @!p0 s8, $0x2;
	[sflag:s26] =	ssyncset.done $0x0  }
0x5e: {  	s5 =	simm.s32 @!p0 $0x64;
	s0 =	sadd.s32 @!p0 $0x5140, s0;
	[sflag:s26] =	ssyncadd.s32 $0xFFFFF380  }
0x5f: {  	[tilespmem:s0], [sflag:$0x1] =	stream.indirect.gather @!p0 [spmem:s3], $0x20, s1, s5, $0xb8;
	[tilespmem:$0x15360] =	vst v63  }
0x60: {  	_ =	swait.ge [sflag:s28], $0xC80  }
0x61: {  	s0 =	sshrl.u32 s25, $0x2;
	[sflag:s28] =	ssyncset.done $0x0  }
0x62: {  	s0 =	sadd.s32 $0x5140, s0;
	[sflag:s28] =	ssyncadd.s32 $0xFFFFF380  }
0x63: {  	[spmem:s2] =	stream.indirect.scatter.add.f32 [tilespmem:s0], [sflag:$0x3], $0x20, s31, s17, $0xb8;
	[tilespmem:$0x15360] =	vst v63  }
0x64: {  	_ =	swait.ge [sflag:s26], $0xC80  }
0x65: {  	[sflag:s26] =	ssyncset.done $0x0  }
0x66: {  	[sflag:s26] =	ssyncadd.s32 $0xFFFFF380  }
0x67: {  	_ =	swait.ge [sflag:s26], $0xC80  }
0x68: {  	[sflag:s26] =	ssyncset.done $0x0  }
0x69: {  	[sflag:s26] =	ssyncadd.s32 $0xFFFFF380  }
0x6a: {  	_ =	swait.ge [sflag:s26], $0xC80  }
0x6b: {  	[sflag:s26] =	ssyncset.done $0x0  }
0x6c: {  	[sflag:s26] =	ssyncadd.s32 $0xFFFFF380  }
0x6d: {  	_ =	swait.ge [sflag:s26], $0xC80  }
0x6e: {  	s30 =	sadd.s32 $0x1, s30;
	[sflag:s26] =	ssyncset.done $0x0  }
0x6f: {  	p0 =	sne.s32 s30, s11;
	[sflag:s26] =	ssyncadd.s32 $0xFFFFF380  }
.Ltmp1:
0x70: {  	s31 =	sor.u32 $0x1C04, s6;
	[bflag:$0x0] =	sbarrier.arrive $0xFFFF;
	(pc) =	sbr.rel @p0 .LBB2_1-.Ltmp1, $4  }
0x71: {  	[hbm:s12], [sflag:s31] =	dma.local [spmem:s13], $0xA00  }
0x72: {  	_ =	swait.ge [sflag:s29], $0xA00  }
0x73: {  	[sflag:s29] =	ssyncset.done $0x0  }
0x74: {  	[sflag:s29] =	ssyncadd.s32 $0xFFFFF600  }
0x75: {  	_ =	sfence.sel $0x180000  }
0x76: {  	[bflag:$0x0] =	sbarrier.arrive $0xFFFF  }
0x77: {  	_ =	strace $0x90000047  }
0x78: {  	s0 =	stileid.u32;
	[bflag:$0x2] =	sbarrier.arrive $0xFFFF  }
0x79: {  	p0 =	sne.s32 s0, $0x0;
	s0 =	rddreg [dreg:$0x4]  }
0x7a: {  	s0 =	sadd.s32 @!p0 $0x100000, s0  }
0x7b: {  	[sflag:s0] =	ssyncadd.tile.s32 @!p0 $0x1;
	_ =	shalt  }
.Lfunc_end2:
_tile_overlayer_lowered:
.L_overlay_start_2:
0x7c: {  	(tag) =	ssettag $0x2  }
0x7d: {  	s0 =	rddreg [dreg:$0x0];
	s2 =	stileid.u32  }
0x7e: {  	s1 =	rddreg [dreg:$0x1];
	p0 =	sne.s32 s2, $0x0  }
0x7f: {  	s3 =	rddreg [dreg:$0x2];
	[bflag:$0x3] =	sbarrier.arrive $0xFFFF;
	s2 =	simm.s32 @!p0 $0x1C04  }
0x80: {  	[timem:s3], [sflag:s2] =	dma.local @!p0 [hbm:s0], s1  }
0x81: {  	s0 =	simm.s32 @!p0 $0x4  }
0x82: {  	_ =	swait.ge @!p0 [sflag:s0], s1  }
0x83: {  	s1 =	ssub.s32 @!p0 $0x0, s1;
	[sflag:s0] =	ssyncset.done @!p0 $0x0  }
0x84: {  	[sflag:s0] =	ssyncadd.s32 @!p0 s1  }
0x85: {  	[bflag:$0x3] =	sbarrier.arrive $0xFFFF  }
0x86: {  	_ =	shalt  }

</sc_bundles>
